<compile_context>
chip_gen: v7x
topology: tpu7x:2x2x1
jax: 0.10.2.dev20260603
libtpu: 0.0.44.dev20260713+nightly
codegen_flags: <defaults>
</compile_context>

<pallas_src>
import functools

import jax
import jax.numpy as jnp
from jax import lax
from jax.experimental import pallas as pl
from jax.experimental.pallas import tpu as pltpu
from jax.experimental.pallas import tpu_sc as plsc

N_DIMS = 10
HIDDEN = 1024
N_CELLS = 1024


_TOK_BLK = 2048


def _index_body(x_ref, w_ref, cb_ref, idx_ref, cbw_ref):
    logits = lax.dot_general(
        w_ref[...], x_ref[...], (((1,), (1,)), ((), ())),
        preferred_element_type=jnp.float32)
    bits = (logits > 0.0).astype(jnp.float32)
    row = lax.broadcasted_iota(jnp.int32, (N_DIMS, 1), 0)
    powf = (jnp.int32(1) << row).astype(jnp.float32)
    idxf = jnp.sum(bits * powf, axis=0, keepdims=True)
    idx_ref[...] = idxf.astype(jnp.int32).reshape(1, 1, _TOK_BLK)

    cbits = lax.bitcast_convert_type(cb_ref[...] * 0.1, jnp.int32)
    rne = cbits + 0x7FFF + ((cbits >> 16) & 1)
    top = rne & jnp.int32(-65536)
    a, b = top[:, : HIDDEN // 2], top[:, HIDDEN // 2:]
    cbw_ref[...] = ((a >> 16) & 0xFFFF) | b


def _index_and_pack(x2d, w_addr, codebook):
    n_tok = x2d.shape[0]
    n_blk = n_tok // _TOK_BLK
    cb_rows = N_CELLS // n_blk
    idx3, cbw = pl.pallas_call(
        _index_body,
        grid=(n_blk,),
        in_specs=[
            pl.BlockSpec((_TOK_BLK, HIDDEN), lambda i: (i, 0)),
            pl.BlockSpec((N_DIMS, HIDDEN), lambda i: (0, 0)),
            pl.BlockSpec((cb_rows, HIDDEN), lambda i: (i, 0)),
        ],
        out_specs=[
            pl.BlockSpec((1, 1, _TOK_BLK), lambda i: (i, 0, 0)),
            pl.BlockSpec((cb_rows, HIDDEN // 2), lambda i: (i, 0)),
        ],
        out_shape=[
            jax.ShapeDtypeStruct((n_blk, 1, _TOK_BLK), jnp.int32),
            jax.ShapeDtypeStruct((N_CELLS, HIDDEN // 2), jnp.int32),
        ],
    )(x2d, w_addr, codebook)
    return idx3.reshape(n_tok), cbw



_NC = 2
_NS = 16
_NW = _NC * _NS
_LANES = 16
_CHUNK = 16


def _make_sc_fused(n_tok):
    per_w = n_tok // _NW
    n_chunks = per_w // _CHUNK
    n_groups = n_chunks // 4
    mesh = plsc.VectorSubcoreMesh(core_axis_name="c", subcore_axis_name="s")

    @functools.partial(
        pl.kernel,
        mesh=mesh,
        out_type=jax.ShapeDtypeStruct((n_tok, HIDDEN), jnp.float32),
        scratch_types=[
            pltpu.VMEM((per_w,), jnp.int32),
            pltpu.VMEM((2, _CHUNK, HIDDEN // 2), jnp.int32),
            pltpu.VMEM((4, _CHUNK, HIDDEN), jnp.float32),
            pltpu.SemaphoreType.DMA((2,)),
            pltpu.SemaphoreType.DMA((4,)),
            pltpu.SemaphoreType.DMA((4,)),
        ],
    )
    def sc_fused(x_hbm, cb_hbm, idx_hbm, out_hbm,
                 idx_all, rows, xb, gsem, xsem, osem):
        wid = lax.axis_index("s") * _NC + lax.axis_index("c")
        base = wid * per_w
        pltpu.sync_copy(idx_hbm.at[pl.ds(base, per_w)], idx_all)

        def gather_copy(ci, rs):
            return pltpu.make_async_copy(
                cb_hbm.at[idx_all.at[pl.ds(ci * _CHUNK, _CHUNK)]],
                rows.at[rs], gsem.at[rs])

        def x_copy(ci, xs):
            return pltpu.make_async_copy(
                x_hbm.at[pl.ds(base + ci * _CHUNK, _CHUNK)], xb.at[xs], xsem.at[xs])

        def out_copy(ci, xs):
            return pltpu.make_async_copy(
                xb.at[xs], out_hbm.at[pl.ds(base + ci * _CHUNK, _CHUNK)], osem.at[xs])

        for j in (0, 1):
            gather_copy(j, j).start()
            x_copy(j, j).start()

        hi_mask = jnp.int32(-65536)

        def group_body(p, _):
            c0 = p * 4
            for j in range(4):
                ci = c0 + j
                rs, xs = j % 2, j % 4
                gather_copy(ci, rs).wait()
                x_copy(ci, xs).wait()

                @plsc.parallel_loop(0, _CHUNK * (HIDDEN // 32), unroll=16)
                def _axpy(i):
                    r = i >> 5
                    k = i & 31
                    w = rows[rs, r, pl.ds(k * _LANES, _LANES)]
                    lo = lax.bitcast_convert_type(w << 16, jnp.float32)
                    hi = lax.bitcast_convert_type(w & hi_mask, jnp.float32)
                    plsc.addupdate(xb.at[xs, r, pl.ds(k * _LANES, _LANES)], lo)
                    plsc.addupdate(
                        xb.at[xs, r, pl.ds(HIDDEN // 2 + k * _LANES, _LANES)], hi)
                out_copy(ci, xs).start()

                nxt = ci + 2
                xs2 = (j + 2) % 4

                @pl.when(nxt < n_chunks)
                def _():
                    gather_copy(nxt, rs).start()

                    @pl.when(ci >= 2)
                    def _():
                        out_copy(ci - 2, xs2).wait()

                    x_copy(nxt, xs2).start()
            return 0

        lax.fori_loop(0, n_groups, group_body, 0)
        for j in range(4):
            ci = n_chunks - 4 + j
            out_copy(ci, j % 4).wait()

    return sc_fused


def kernel(x, codebook, W_addr):
    b, seq, h = x.shape
    n_tok = b * seq
    x2d = x.reshape(n_tok, h)
    idx, cb_words = _index_and_pack(x2d, W_addr, codebook)
    out2d = _make_sc_fused(n_tok)(x2d, cb_words, idx)
    return out2d.reshape(b, seq, h)

# --- scband reference (transcript-rebuilt; emitter-appended) ---
"""Pipeline reference for scband-hypercube-index-80994493268359 (READ-ONLY COPY).

The authoritative reference and input builder live on the scoring server;
editing this copy changes nothing except your own understanding.
"""

import jax, jax.numpy as jnp
import numpy as np

N_DIMS = 10
CELLS_PER_DIM = 2
HIDDEN_DIM = 1024
N_CELLS = CELLS_PER_DIM ** N_DIMS


def setup_inputs(seed: int = 0) -> dict:
    key = jax.random.key(seed)
    k_x, k_cb, k_w = jax.random.split(key, 3)
    x = jax.random.normal(k_x, (4, 4096, HIDDEN_DIM), dtype=jnp.float32)
    codebook = jax.random.normal(k_cb, (N_CELLS, HIDDEN_DIM), dtype=jnp.float32) * 0.01
    # torch nn.Linear(hidden_dim, n_dims, bias=False): weight shape (n_dims, hidden_dim)
    bound = 1.0 / np.sqrt(HIDDEN_DIM)
    W_addr = jax.random.uniform(k_w, (N_DIMS, HIDDEN_DIM), dtype=jnp.float32, minval=-bound, maxval=bound)
    return {"x": x, "codebook": codebook, "W_addr": W_addr}


def reference(x, codebook, W_addr):
    # coords = sigmoid(Linear(x)) : (..., n_dims)
    coords = jax.nn.sigmoid(jnp.einsum('...h,dh->...d', x, W_addr))
    cell_indices = (coords > 0.5).astype(jnp.int64)
    powers = (2 ** jnp.arange(N_DIMS)).astype(jnp.int64)
    flat_idx = (cell_indices * powers).sum(-1)
    looked_up = jnp.take(codebook, flat_idx, axis=0)
    return x + looked_up * 0.1

if __name__ == "__main__":
    import jax
    _d = setup_inputs()
    print(jax.jit(kernel)(*tuple(_d.values())))

</pallas_src>

<mosaic_0001>
#map = affine_map<(d0, d1) -> (0, 0)>
#map1 = affine_map<(d0, d1) -> (0)>
module attributes {stable_mosaic.version = 14 : i64} {
  func.func @sc_fused(%arg0: i32, %arg1: i32, %arg2: memref<16384x1024xf32, #tpu.memory_space<hbm>>, %arg3: memref<1024x512xi32, #tpu.memory_space<hbm>>, %arg4: memref<16384xi32, #tpu.memory_space<hbm>>, %arg5: memref<16384x1024xf32, #tpu.memory_space<hbm>>, %arg6: memref<512xi32, #tpu.memory_space<vmem>>, %arg7: memref<2x16x512xi32, #tpu.memory_space<vmem>>, %arg8: memref<4x16x1024xf32, #tpu.memory_space<vmem>>, %arg9: memref<2x!tpu.dma_semaphore, #tpu.memory_space<semaphore_mem>>, %arg10: memref<4x!tpu.dma_semaphore, #tpu.memory_space<semaphore_mem>>, %arg11: memref<4x!tpu.dma_semaphore, #tpu.memory_space<semaphore_mem>>) attributes {dimension_semantics = [#tpu.dimension_semantics<core_parallel>, #tpu.dimension_semantics<subcore_parallel>], iteration_bounds = array<i64: 2, 16>, scalar_prefetch = 0 : i64, scratch_operands = 6 : i64, tpu.core_type = #tpu.core_type<sc_vector_subcore>, window_params = [{transform_indices = #map}, {transform_indices = #map}, {transform_indices = #map1}, {transform_indices = #map}]} {
    %mul3A = arith.constant 2 : i32
    %mul3A_0 = arith.muli %arg1, %mul3A : i32
    %add3A = arith.addi %mul3A_0, %arg0 : i32
    %mul3A_1 = arith.constant 512 : i32
    %mul3A_2 = arith.muli %add3A, %mul3A_1 : i32
    "tpu.region"() ({
      %run_scoped3A = tpu.sem_alloc : memref<!tpu.dma_semaphore, #tpu.memory_space<semaphore_mem>>
      %dma_start3A_142 = tpu.memref_slice %arg4[%mul3A_2] : memref<16384xi32, #tpu.memory_space<hbm>> -> memref<512xi32, #tpu.memory_space<hbm>>
      %dma_start3A_143 = tpu.memref_slice %arg4[%mul3A_2] : memref<16384xi32, #tpu.memory_space<hbm>> -> memref<512xi32, #tpu.memory_space<hbm>>
      tpu.enqueue_dma source(%dma_start3A_143 : memref<512xi32, #tpu.memory_space<hbm>>) target(%arg6 : memref<512xi32, #tpu.memory_space<vmem>>) target_semaphore(%run_scoped3A : memref<!tpu.dma_semaphore, #tpu.memory_space<semaphore_mem>>)
      %dma_wait3A_144 = tpu.memref_slice %arg4[%mul3A_2] : memref<16384xi32, #tpu.memory_space<hbm>> -> memref<512xi32, #tpu.memory_space<hbm>>
      %dma_wait3A_145 = tpu.memref_slice %arg4[%mul3A_2] : memref<16384xi32, #tpu.memory_space<hbm>> -> memref<512xi32, #tpu.memory_space<hbm>>
      tpu.wait_dma2 semaphore(%run_scoped3A : memref<!tpu.dma_semaphore, #tpu.memory_space<semaphore_mem>>) src(%dma_wait3A_145 : memref<512xi32, #tpu.memory_space<hbm>>) dst(%arg6 : memref<512xi32, #tpu.memory_space<vmem>>)
      tpu.yield
    }) : () -> ()
    %dma_start3A = arith.constant 0 : i32
    %dma_start3A_3 = arith.constant 0 : i32
    %dma_start3A_4 = arith.constant 0 : i32
    %dma_start3A_5 = arith.constant 0 : i32
    %dma_start3A_6 = tpu.memref_slice %arg7[%dma_start3A, %dma_start3A_4, %dma_start3A_5] : memref<2x16x512xi32, #tpu.memory_space<vmem>> -> memref<1x16x512xi32, #tpu.memory_space<vmem>>
    %dma_start3A_7 = tpu.memref_squeeze %dma_start3A_6 : memref<1x16x512xi32, #tpu.memory_space<vmem>> -> memref<16x512xi32, #tpu.memory_space<vmem>>
    %dma_start3A_8 = arith.constant 0 : i32
    %dma_start3A_9 = tpu.memref_slice %arg6[%dma_start3A_8] : memref<512xi32, #tpu.memory_space<vmem>> -> memref<16xi32, #tpu.memory_space<vmem>>
    %dma_start3A_10 = arith.constant 0 : i32
    %dma_start3A_11 = arith.constant 0 : i32
    %dma_start3A_12 = tpu.memref_slice %arg3[%dma_start3A_10, %dma_start3A_11] : memref<1024x512xi32, #tpu.memory_space<hbm>> -> memref<1024x512xi32, #tpu.memory_space<hbm>>
    %dma_start3A_13 = tpu.memref_slice %arg9[%dma_start3A_3] : memref<2x!tpu.dma_semaphore, #tpu.memory_space<semaphore_mem>> -> memref<1x!tpu.dma_semaphore, #tpu.memory_space<semaphore_mem>>
    %dma_start3A_14 = tpu.memref_squeeze %dma_start3A_13 : memref<1x!tpu.dma_semaphore, #tpu.memory_space<semaphore_mem>> -> memref<!tpu.dma_semaphore, #tpu.memory_space<semaphore_mem>>
    tpu.enqueue_indirect_dma source(%dma_start3A_12 : memref<1024x512xi32, #tpu.memory_space<hbm>>) target(%dma_start3A_7 : memref<16x512xi32, #tpu.memory_space<vmem>>) offsets(%dma_start3A_9 : memref<16xi32, #tpu.memory_space<vmem>>) semaphore(%dma_start3A_14 : memref<!tpu.dma_semaphore, #tpu.memory_space<semaphore_mem>>)
    %add3A_15 = arith.constant 0 : i32
    %add3A_16 = arith.addi %mul3A_2, %add3A_15 : i32
    %dma_start3A_17 = arith.constant 0 : i32
    %dma_start3A_18 = arith.constant 0 : i32
    %dma_start3A_19 = arith.constant 0 : i32
    %dma_start3A_20 = arith.constant 0 : i32
    %dma_start3A_21 = tpu.memref_slice %arg8[%dma_start3A_17, %dma_start3A_19, %dma_start3A_20] : memref<4x16x1024xf32, #tpu.memory_space<vmem>> -> memref<1x16x1024xf32, #tpu.memory_space<vmem>>
    %dma_start3A_22 = tpu.memref_squeeze %dma_start3A_21 : memref<1x16x1024xf32, #tpu.memory_space<vmem>> -> memref<16x1024xf32, #tpu.memory_space<vmem>>
    %dma_start3A_23 = arith.constant 0 : i32
    %dma_start3A_24 = tpu.memref_slice %arg2[%add3A_16, %dma_start3A_23] : memref<16384x1024xf32, #tpu.memory_space<hbm>> -> memref<16x1024xf32, #tpu.memory_space<hbm>>
    %dma_start3A_25 = tpu.memref_slice %arg10[%dma_start3A_18] : memref<4x!tpu.dma_semaphore, #tpu.memory_space<semaphore_mem>> -> memref<1x!tpu.dma_semaphore, #tpu.memory_space<semaphore_mem>>
    %dma_start3A_26 = tpu.memref_squeeze %dma_start3A_25 : memref<1x!tpu.dma_semaphore, #tpu.memory_space<semaphore_mem>> -> memref<!tpu.dma_semaphore, #tpu.memory_space<semaphore_mem>>
    %dma_start3A_27 = arith.constant 0 : i32
    %dma_start3A_28 = arith.constant 0 : i32
    %dma_start3A_29 = tpu.memref_slice %arg8[%dma_start3A_17, %dma_start3A_27, %dma_start3A_28] : memref<4x16x1024xf32, #tpu.memory_space<vmem>> -> memref<1x16x1024xf32, #tpu.memory_space<vmem>>
    %dma_start3A_30 = tpu.memref_squeeze %dma_start3A_29 : memref<1x16x1024xf32, #tpu.memory_space<vmem>> -> memref<16x1024xf32, #tpu.memory_space<vmem>>
    %dma_start3A_31 = arith.constant 0 : i32
    %dma_start3A_32 = tpu.memref_slice %arg2[%add3A_16, %dma_start3A_31] : memref<16384x1024xf32, #tpu.memory_space<hbm>> -> memref<16x1024xf32, #tpu.memory_space<hbm>>
    tpu.enqueue_dma source(%dma_start3A_32 : memref<16x1024xf32, #tpu.memory_space<hbm>>) target(%dma_start3A_30 : memref<16x1024xf32, #tpu.memory_space<vmem>>) target_semaphore(%dma_start3A_26 : memref<!tpu.dma_semaphore, #tpu.memory_space<semaphore_mem>>)
    %dma_start3A_33 = arith.constant 1 : i32
    %dma_start3A_34 = arith.constant 1 : i32
    %dma_start3A_35 = arith.constant 0 : i32
    %dma_start3A_36 = arith.constant 0 : i32
    %dma_start3A_37 = tpu.memref_slice %arg7[%dma_start3A_33, %dma_start3A_35, %dma_start3A_36] : memref<2x16x512xi32, #tpu.memory_space<vmem>> -> memref<1x16x512xi32, #tpu.memory_space<vmem>>
    %dma_start3A_38 = tpu.memref_squeeze %dma_start3A_37 : memref<1x16x512xi32, #tpu.memory_space<vmem>> -> memref<16x512xi32, #tpu.memory_space<vmem>>
    %dma_start3A_39 = arith.constant 16 : i32
    %dma_start3A_40 = tpu.memref_slice %arg6[%dma_start3A_39] : memref<512xi32, #tpu.memory_space<vmem>> -> memref<16xi32, #tpu.memory_space<vmem>>
    %dma_start3A_41 = arith.constant 0 : i32
    %dma_start3A_42 = arith.constant 0 : i32
    %dma_start3A_43 = tpu.memref_slice %arg3[%dma_start3A_41, %dma_start3A_42] : memref<1024x512xi32, #tpu.memory_space<hbm>> -> memref<1024x512xi32, #tpu.memory_space<hbm>>
    %dma_start3A_44 = tpu.memref_slice %arg9[%dma_start3A_34] : memref<2x!tpu.dma_semaphore, #tpu.memory_space<semaphore_mem>> -> memref<1x!tpu.dma_semaphore, #tpu.memory_space<semaphore_mem>>
    %dma_start3A_45 = tpu.memref_squeeze %dma_start3A_44 : memref<1x!tpu.dma_semaphore, #tpu.memory_space<semaphore_mem>> -> memref<!tpu.dma_semaphore, #tpu.memory_space<semaphore_mem>>
    tpu.enqueue_indirect_dma source(%dma_start3A_43 : memref<1024x512xi32, #tpu.memory_space<hbm>>) target(%dma_start3A_38 : memref<16x512xi32, #tpu.memory_space<vmem>>) offsets(%dma_start3A_40 : memref<16xi32, #tpu.memory_space<vmem>>) semaphore(%dma_start3A_45 : memref<!tpu.dma_semaphore, #tpu.memory_space<semaphore_mem>>)
    %add3A_46 = arith.constant 16 : i32
    %add3A_47 = arith.addi %mul3A_2, %add3A_46 : i32
    %dma_start3A_48 = arith.constant 1 : i32
    %dma_start3A_49 = arith.constant 1 : i32
    %dma_start3A_50 = arith.constant 0 : i32
    %dma_start3A_51 = arith.constant 0 : i32
    %dma_start3A_52 = tpu.memref_slice %arg8[%dma_start3A_48, %dma_start3A_50, %dma_start3A_51] : memref<4x16x1024xf32, #tpu.memory_space<vmem>> -> memref<1x16x1024xf32, #tpu.memory_space<vmem>>
    %dma_start3A_53 = tpu.memref_squeeze %dma_start3A_52 : memref<1x16x1024xf32, #tpu.memory_space<vmem>> -> memref<16x1024xf32, #tpu.memory_space<vmem>>
    %dma_start3A_54 = arith.constant 0 : i32
    %dma_start3A_55 = tpu.memref_slice %arg2[%add3A_47, %dma_start3A_54] : memref<16384x1024xf32, #tpu.memory_space<hbm>> -> memref<16x1024xf32, #tpu.memory_space<hbm>>
    %dma_start3A_56 = tpu.memref_slice %arg10[%dma_start3A_49] : memref<4x!tpu.dma_semaphore, #tpu.memory_space<semaphore_mem>> -> memref<1x!tpu.dma_semaphore, #tpu.memory_space<semaphore_mem>>
    %dma_start3A_57 = tpu.memref_squeeze %dma_start3A_56 : memref<1x!tpu.dma_semaphore, #tpu.memory_space<semaphore_mem>> -> memref<!tpu.dma_semaphore, #tpu.memory_space<semaphore_mem>>
    %dma_start3A_58 = arith.constant 0 : i32
    %dma_start3A_59 = arith.constant 0 : i32
    %dma_start3A_60 = tpu.memref_slice %arg8[%dma_start3A_48, %dma_start3A_58, %dma_start3A_59] : memref<4x16x1024xf32, #tpu.memory_space<vmem>> -> memref<1x16x1024xf32, #tpu.memory_space<vmem>>
    %dma_start3A_61 = tpu.memref_squeeze %dma_start3A_60 : memref<1x16x1024xf32, #tpu.memory_space<vmem>> -> memref<16x1024xf32, #tpu.memory_space<vmem>>
    %dma_start3A_62 = arith.constant 0 : i32
    %dma_start3A_63 = tpu.memref_slice %arg2[%add3A_47, %dma_start3A_62] : memref<16384x1024xf32, #tpu.memory_space<hbm>> -> memref<16x1024xf32, #tpu.memory_space<hbm>>
    tpu.enqueue_dma source(%dma_start3A_63 : memref<16x1024xf32, #tpu.memory_space<hbm>>) target(%dma_start3A_61 : memref<16x1024xf32, #tpu.memory_space<vmem>>) target_semaphore(%dma_start3A_57 : memref<!tpu.dma_semaphore, #tpu.memory_space<semaphore_mem>>)
    %scan3A = arith.constant -65536 : i32
    %scan3A_64 = arith.constant 0 : i32
    %scan3A_65 = arith.constant 0 : i32
    %scan3A_66 = arith.constant 8 : i32
    %scan3A_67 = arith.addi %scan3A_65, %scan3A_66 : i32
    %scan3A_68 = arith.constant 1 : i32
    %scan3A_69 = scf.for %scan3A_142 = %scan3A_65 to %scan3A_67 step %scan3A_68 iter_args(%scan3A_143 = %scan3A_64) -> (i32)  : i32 {
      %mul3A_144 = arith.constant 4 : i32
      %mul3A_145 = arith.muli %scan3A_142, %mul3A_144 : i32
      %add3A_146 = arith.constant 0 : i32
      %add3A_147 = arith.addi %mul3A_145, %add3A_146 : i32
      %mul3A_148 = arith.constant 16 : i32
      %mul3A_149 = arith.muli %add3A_147, %mul3A_148 : i32
      %dma_wait3A_150 = arith.constant 0 : i32
      %dma_wait3A_151 = arith.constant 0 : i32
      %dma_wait3A_152 = arith.constant 0 : i32
      %dma_wait3A_153 = arith.constant 0 : i32
      %dma_wait3A_154 = tpu.memref_slice %arg7[%dma_wait3A_150, %dma_wait3A_152, %dma_wait3A_153] : memref<2x16x512xi32, #tpu.memory_space<vmem>> -> memref<1x16x512xi32, #tpu.memory_space<vmem>>
      %dma_wait3A_155 = tpu.memref_squeeze %dma_wait3A_154 : memref<1x16x512xi32, #tpu.memory_space<vmem>> -> memref<16x512xi32, #tpu.memory_space<vmem>>
      %dma_wait3A_156 = tpu.memref_slice %arg6[%mul3A_149] : memref<512xi32, #tpu.memory_space<vmem>> -> memref<16xi32, #tpu.memory_space<vmem>>
      %dma_wait3A_157 = arith.constant 0 : i32
      %dma_wait3A_158 = arith.constant 0 : i32
      %dma_wait3A_159 = tpu.memref_slice %arg3[%dma_wait3A_157, %dma_wait3A_158] : memref<1024x512xi32, #tpu.memory_space<hbm>> -> memref<1024x512xi32, #tpu.memory_space<hbm>>
      %dma_wait3A_160 = tpu.memref_slice %arg9[%dma_wait3A_151] : memref<2x!tpu.dma_semaphore, #tpu.memory_space<semaphore_mem>> -> memref<1x!tpu.dma_semaphore, #tpu.memory_space<semaphore_mem>>
      %dma_wait3A_161 = tpu.memref_squeeze %dma_wait3A_160 : memref<1x!tpu.dma_semaphore, #tpu.memory_space<semaphore_mem>> -> memref<!tpu.dma_semaphore, #tpu.memory_space<semaphore_mem>>
      tpu.wait_indirect_dma semaphore(%dma_wait3A_161 : memref<!tpu.dma_semaphore, #tpu.memory_space<semaphore_mem>>) src(%dma_wait3A_159 : memref<1024x512xi32, #tpu.memory_space<hbm>>) dst(%dma_wait3A_155 : memref<16x512xi32, #tpu.memory_space<vmem>>)
      %mul3A_162 = arith.constant 16 : i32
      %mul3A_163 = arith.muli %add3A_147, %mul3A_162 : i32
      %add3A_164 = arith.addi %mul3A_2, %mul3A_163 : i32
      %dma_wait3A_165 = arith.constant 0 : i32
      %dma_wait3A_166 = arith.constant 0 : i32
      %dma_wait3A_167 = arith.constant 0 : i32
      %dma_wait3A_168 = arith.constant 0 : i32
      %dma_wait3A_169 = tpu.memref_slice %arg8[%dma_wait3A_165, %dma_wait3A_167, %dma_wait3A_168] : memref<4x16x1024xf32, #tpu.memory_space<vmem>> -> memref<1x16x1024xf32, #tpu.memory_space<vmem>>
      %dma_wait3A_170 = tpu.memref_squeeze %dma_wait3A_169 : memref<1x16x1024xf32, #tpu.memory_space<vmem>> -> memref<16x1024xf32, #tpu.memory_space<vmem>>
      %dma_wait3A_171 = arith.constant 0 : i32
      %dma_wait3A_172 = tpu.memref_slice %arg2[%add3A_164, %dma_wait3A_171] : memref<16384x1024xf32, #tpu.memory_space<hbm>> -> memref<16x1024xf32, #tpu.memory_space<hbm>>
      %dma_wait3A_173 = tpu.memref_slice %arg10[%dma_wait3A_166] : memref<4x!tpu.dma_semaphore, #tpu.memory_space<semaphore_mem>> -> memref<1x!tpu.dma_semaphore, #tpu.memory_space<semaphore_mem>>
      %dma_wait3A_174 = tpu.memref_squeeze %dma_wait3A_173 : memref<1x!tpu.dma_semaphore, #tpu.memory_space<semaphore_mem>> -> memref<!tpu.dma_semaphore, #tpu.memory_space<semaphore_mem>>
      %dma_wait3A_175 = arith.constant 0 : i32
      %dma_wait3A_176 = arith.constant 0 : i32
      %dma_wait3A_177 = tpu.memref_slice %arg8[%dma_wait3A_165, %dma_wait3A_175, %dma_wait3A_176] : memref<4x16x1024xf32, #tpu.memory_space<vmem>> -> memref<1x16x1024xf32, #tpu.memory_space<vmem>>
      %dma_wait3A_178 = tpu.memref_squeeze %dma_wait3A_177 : memref<1x16x1024xf32, #tpu.memory_space<vmem>> -> memref<16x1024xf32, #tpu.memory_space<vmem>>
      %dma_wait3A_179 = arith.constant 0 : i32
      %dma_wait3A_180 = tpu.memref_slice %arg2[%add3A_164, %dma_wait3A_179] : memref<16384x1024xf32, #tpu.memory_space<hbm>> -> memref<16x1024xf32, #tpu.memory_space<hbm>>
      tpu.wait_dma2 semaphore(%dma_wait3A_174 : memref<!tpu.dma_semaphore, #tpu.memory_space<semaphore_mem>>) src(%dma_wait3A_180 : memref<16x1024xf32, #tpu.memory_space<hbm>>) dst(%dma_wait3A_178 : memref<16x1024xf32, #tpu.memory_space<vmem>>)
      %parallel_loop3A = arith.constant 0 : i32
      %parallel_loop3A_181 = arith.constant 512 : i32
      %parallel_loop3A_182 = arith.constant 1 : i32
      scf.for %parallel_loop3A_399 = %parallel_loop3A to %parallel_loop3A_181 step %parallel_loop3A_182  : i32 {
        %parallel_loop3A_400 = arith.constant 5 : i32
        %parallel_loop3A_401 = arith.shrsi %parallel_loop3A_399, %parallel_loop3A_400 : i32
        %parallel_loop3A_402 = arith.constant 31 : i32
        %parallel_loop3A_403 = arith.andi %parallel_loop3A_399, %parallel_loop3A_402 : i32
        %parallel_loop3A_404 = arith.constant 16 : i32
        %parallel_loop3A_405 = arith.muli %parallel_loop3A_403, %parallel_loop3A_404 : i32
        %parallel_loop3A_406 = arith.constant 0 : i32
        %parallel_loop3A_407 = arith.index_cast %parallel_loop3A_406 : i32 to index
        %parallel_loop3A_408 = arith.index_cast %parallel_loop3A_401 : i32 to index
        %parallel_loop3A_409 = arith.index_cast %parallel_loop3A_405 : i32 to index
        %parallel_loop3A_410 = tpu.vector_load %arg7[%parallel_loop3A_407, %parallel_loop3A_408, %parallel_loop3A_409] {strides = array<i32>} : memref<2x16x512xi32, #tpu.memory_space<vmem>>, vector<1x1x16xi32>,
        %parallel_loop3A_411 = vector.shape_cast %parallel_loop3A_410 : vector<1x1x16xi32> to vector<16xi32>
        %parallel_loop3A_412 = arith.constant 16 : i32
        %parallel_loop3A_413 = vector.broadcast %parallel_loop3A_412 : i32 to vector<16xi32>
        %parallel_loop3A_414 = arith.shli %parallel_loop3A_411, %parallel_loop3A_413 : vector<16xi32>
        %parallel_loop3A_415 = tpu.bitcast %parallel_loop3A_414 : vector<16xi32> -> vector<16xf32>
        %parallel_loop3A_416 = vector.broadcast %scan3A : i32 to vector<16xi32>
        %parallel_loop3A_417 = arith.andi %parallel_loop3A_411, %parallel_loop3A_416 : vector<16xi32>
        %parallel_loop3A_418 = tpu.bitcast %parallel_loop3A_417 : vector<16xi32> -> vector<16xf32>
        %parallel_loop3A_419 = arith.constant 16 : i32
        %parallel_loop3A_420 = arith.muli %parallel_loop3A_403, %parallel_loop3A_419 : i32
        %parallel_loop3A_421 = arith.constant 0 : i32
        %parallel_loop3A_422 = arith.index_cast %parallel_loop3A_421 : i32 to index
        %parallel_loop3A_423 = arith.index_cast %parallel_loop3A_401 : i32 to index
        %parallel_loop3A_424 = arith.index_cast %parallel_loop3A_420 : i32 to index
        %parallel_loop3A_425 = tpu.vector_load %arg8[%parallel_loop3A_422, %parallel_loop3A_423, %parallel_loop3A_424] {strides = array<i32>} : memref<4x16x1024xf32, #tpu.memory_space<vmem>>, vector<1x1x16xf32>,
        %parallel_loop3A_426 = vector.shape_cast %parallel_loop3A_425 : vector<1x1x16xf32> to vector<16xf32>
        %parallel_loop3A_427 = vector.shape_cast %parallel_loop3A_415 : vector<16xf32> to vector<1x1x16xf32>
        tpu.vector_store %arg8[%parallel_loop3A_422, %parallel_loop3A_423, %parallel_loop3A_424], %parallel_loop3A_427 {add = true, strides = array<i32>} : memref<4x16x1024xf32, #tpu.memory_space<vmem>>, vector<1x1x16xf32>,
        %parallel_loop3A_428 = arith.constant 16 : i32
        %parallel_loop3A_429 = arith.muli %parallel_loop3A_403, %parallel_loop3A_428 : i32
        %parallel_loop3A_430 = arith.constant 512 : i32
        %parallel_loop3A_431 = arith.addi %parallel_loop3A_430, %parallel_loop3A_429 : i32
        %parallel_loop3A_432 = arith.constant 0 : i32
        %parallel_loop3A_433 = arith.index_cast %parallel_loop3A_432 : i32 to index
        %parallel_loop3A_434 = arith.index_cast %parallel_loop3A_401 : i32 to index
        %parallel_loop3A_435 = arith.index_cast %parallel_loop3A_431 : i32 to index
        %parallel_loop3A_436 = tpu.vector_load %arg8[%parallel_loop3A_433, %parallel_loop3A_434, %parallel_loop3A_435] {strides = array<i32>} : memref<4x16x1024xf32, #tpu.memory_space<vmem>>, vector<1x1x16xf32>,
        %parallel_loop3A_437 = vector.shape_cast %parallel_loop3A_436 : vector<1x1x16xf32> to vector<16xf32>
        %parallel_loop3A_438 = vector.shape_cast %parallel_loop3A_418 : vector<16xf32> to vector<1x1x16xf32>
        tpu.vector_store %arg8[%parallel_loop3A_433, %parallel_loop3A_434, %parallel_loop3A_435], %parallel_loop3A_438 {add = true, strides = array<i32>} : memref<4x16x1024xf32, #tpu.memory_space<vmem>>, vector<1x1x16xf32>,
      } {sc.loop_unroll_factor = 16 : i64, sc.parallel_access}
      %mul3A_183 = arith.constant 16 : i32
      %mul3A_184 = arith.muli %add3A_147, %mul3A_183 : i32
      %add3A_185 = arith.addi %mul3A_2, %mul3A_184 : i32
      %dma_start3A_186 = arith.constant 0 : i32
      %dma_start3A_187 = arith.constant 0 : i32
      %dma_start3A_188 = arith.constant 0 : i32
      %dma_start3A_189 = arith.constant 0 : i32
      %dma_start3A_190 = tpu.memref_slice %arg8[%dma_start3A_186, %dma_start3A_188, %dma_start3A_189] : memref<4x16x1024xf32, #tpu.memory_space<vmem>> -> memref<1x16x1024xf32, #tpu.memory_space<vmem>>
      %dma_start3A_191 = tpu.memref_squeeze %dma_start3A_190 : memref<1x16x1024xf32, #tpu.memory_space<vmem>> -> memref<16x1024xf32, #tpu.memory_space<vmem>>
      %dma_start3A_192 = arith.constant 0 : i32
      %dma_start3A_193 = tpu.memref_slice %arg5[%add3A_185, %dma_start3A_192] : memref<16384x1024xf32, #tpu.memory_space<hbm>> -> memref<16x1024xf32, #tpu.memory_space<hbm>>
      %dma_start3A_194 = tpu.memref_slice %arg11[%dma_start3A_187] : memref<4x!tpu.dma_semaphore, #tpu.memory_space<semaphore_mem>> -> memref<1x!tpu.dma_semaphore, #tpu.memory_space<semaphore_mem>>
      %dma_start3A_195 = tpu.memref_squeeze %dma_start3A_194 : memref<1x!tpu.dma_semaphore, #tpu.memory_space<semaphore_mem>> -> memref<!tpu.dma_semaphore, #tpu.memory_space<semaphore_mem>>
      %dma_start3A_196 = arith.constant 0 : i32
      %dma_start3A_197 = tpu.memref_slice %arg5[%add3A_185, %dma_start3A_196] : memref<16384x1024xf32, #tpu.memory_space<hbm>> -> memref<16x1024xf32, #tpu.memory_space<hbm>>
      %dma_start3A_198 = arith.constant 0 : i32
      %dma_start3A_199 = arith.constant 0 : i32
      %dma_start3A_200 = tpu.memref_slice %arg8[%dma_start3A_186, %dma_start3A_198, %dma_start3A_199] : memref<4x16x1024xf32, #tpu.memory_space<vmem>> -> memref<1x16x1024xf32, #tpu.memory_space<vmem>>
      %dma_start3A_201 = tpu.memref_squeeze %dma_start3A_200 : memref<1x16x1024xf32, #tpu.memory_space<vmem>> -> memref<16x1024xf32, #tpu.memory_space<vmem>>
      tpu.enqueue_dma source(%dma_start3A_201 : memref<16x1024xf32, #tpu.memory_space<vmem>>) target(%dma_start3A_197 : memref<16x1024xf32, #tpu.memory_space<hbm>>) target_semaphore(%dma_start3A_195 : memref<!tpu.dma_semaphore, #tpu.memory_space<semaphore_mem>>)
      %add3A_202 = arith.constant 2 : i32
      %add3A_203 = arith.addi %add3A_147, %add3A_202 : i32
      %lt3A = arith.constant 32 : i32
      %lt3A_204 = arith.cmpi slt, %add3A_203, %lt3A : i32
      %convert_element_type3A = arith.extui %lt3A_204 : i1 to i32
      %cond3A = arith.constant 0 : i32
      %cond3A_205 = arith.cmpi ne, %convert_element_type3A, %cond3A : i32
      scf.if %cond3A_205 {
        %mul3A_399 = arith.constant 16 : i32
        %mul3A_400 = arith.muli %add3A_203, %mul3A_399 : i32
        %dma_start3A_401 = arith.constant 0 : i32
        %dma_start3A_402 = arith.constant 0 : i32
        %dma_start3A_403 = arith.constant 0 : i32
        %dma_start3A_404 = arith.constant 0 : i32
        %dma_start3A_405 = tpu.memref_slice %arg7[%dma_start3A_401, %dma_start3A_403, %dma_start3A_404] : memref<2x16x512xi32, #tpu.memory_space<vmem>> -> memref<1x16x512xi32, #tpu.memory_space<vmem>>
        %dma_start3A_406 = tpu.memref_squeeze %dma_start3A_405 : memref<1x16x512xi32, #tpu.memory_space<vmem>> -> memref<16x512xi32, #tpu.memory_space<vmem>>
        %dma_start3A_407 = tpu.memref_slice %arg6[%mul3A_400] : memref<512xi32, #tpu.memory_space<vmem>> -> memref<16xi32, #tpu.memory_space<vmem>>
        %dma_start3A_408 = arith.constant 0 : i32
        %dma_start3A_409 = arith.constant 0 : i32
        %dma_start3A_410 = tpu.memref_slice %arg3[%dma_start3A_408, %dma_start3A_409] : memref<1024x512xi32, #tpu.memory_space<hbm>> -> memref<1024x512xi32, #tpu.memory_space<hbm>>
        %dma_start3A_411 = tpu.memref_slice %arg9[%dma_start3A_402] : memref<2x!tpu.dma_semaphore, #tpu.memory_space<semaphore_mem>> -> memref<1x!tpu.dma_semaphore, #tpu.memory_space<semaphore_mem>>
        %dma_start3A_412 = tpu.memref_squeeze %dma_start3A_411 : memref<1x!tpu.dma_semaphore, #tpu.memory_space<semaphore_mem>> -> memref<!tpu.dma_semaphore, #tpu.memory_space<semaphore_mem>>
        tpu.enqueue_indirect_dma source(%dma_start3A_410 : memref<1024x512xi32, #tpu.memory_space<hbm>>) target(%dma_start3A_406 : memref<16x512xi32, #tpu.memory_space<vmem>>) offsets(%dma_start3A_407 : memref<16xi32, #tpu.memory_space<vmem>>) semaphore(%dma_start3A_412 : memref<!tpu.dma_semaphore, #tpu.memory_space<semaphore_mem>>)
        %ge3A = arith.constant 2 : i32
        %ge3A_413 = arith.cmpi sge, %add3A_147, %ge3A : i32
        %convert_element_type3A_414 = arith.extui %ge3A_413 : i1 to i32
        %cond3A_415 = arith.constant 0 : i32
        %cond3A_416 = arith.cmpi ne, %convert_element_type3A_414, %cond3A_415 : i32
        scf.if %cond3A_416 {
          %sub3A = arith.constant 2 : i32
          %sub3A_436 = arith.subi %add3A_147, %sub3A : i32
          %mul3A_437 = arith.constant 16 : i32
          %mul3A_438 = arith.muli %sub3A_436, %mul3A_437 : i32
          %add3A_439 = arith.addi %mul3A_2, %mul3A_438 : i32
          %dma_wait3A_440 = arith.constant 2 : i32
          %dma_wait3A_441 = arith.constant 2 : i32
          %dma_wait3A_442 = arith.constant 0 : i32
          %dma_wait3A_443 = arith.constant 0 : i32
          %dma_wait3A_444 = tpu.memref_slice %arg8[%dma_wait3A_440, %dma_wait3A_442, %dma_wait3A_443] : memref<4x16x1024xf32, #tpu.memory_space<vmem>> -> memref<1x16x1024xf32, #tpu.memory_space<vmem>>
          %dma_wait3A_445 = tpu.memref_squeeze %dma_wait3A_444 : memref<1x16x1024xf32, #tpu.memory_space<vmem>> -> memref<16x1024xf32, #tpu.memory_space<vmem>>
          %dma_wait3A_446 = arith.constant 0 : i32
          %dma_wait3A_447 = tpu.memref_slice %arg5[%add3A_439, %dma_wait3A_446] : memref<16384x1024xf32, #tpu.memory_space<hbm>> -> memref<16x1024xf32, #tpu.memory_space<hbm>>
          %dma_wait3A_448 = tpu.memref_slice %arg11[%dma_wait3A_441] : memref<4x!tpu.dma_semaphore, #tpu.memory_space<semaphore_mem>> -> memref<1x!tpu.dma_semaphore, #tpu.memory_space<semaphore_mem>>
          %dma_wait3A_449 = tpu.memref_squeeze %dma_wait3A_448 : memref<1x!tpu.dma_semaphore, #tpu.memory_space<semaphore_mem>> -> memref<!tpu.dma_semaphore, #tpu.memory_space<semaphore_mem>>
          %dma_wait3A_450 = arith.constant 0 : i32
          %dma_wait3A_451 = tpu.memref_slice %arg5[%add3A_439, %dma_wait3A_450] : memref<16384x1024xf32, #tpu.memory_space<hbm>> -> memref<16x1024xf32, #tpu.memory_space<hbm>>
          %dma_wait3A_452 = arith.constant 0 : i32
          %dma_wait3A_453 = arith.constant 0 : i32
          %dma_wait3A_454 = tpu.memref_slice %arg8[%dma_wait3A_440, %dma_wait3A_452, %dma_wait3A_453] : memref<4x16x1024xf32, #tpu.memory_space<vmem>> -> memref<1x16x1024xf32, #tpu.memory_space<vmem>>
          %dma_wait3A_455 = tpu.memref_squeeze %dma_wait3A_454 : memref<1x16x1024xf32, #tpu.memory_space<vmem>> -> memref<16x1024xf32, #tpu.memory_space<vmem>>
          tpu.wait_dma2 semaphore(%dma_wait3A_449 : memref<!tpu.dma_semaphore, #tpu.memory_space<semaphore_mem>>) src(%dma_wait3A_455 : memref<16x1024xf32, #tpu.memory_space<vmem>>) dst(%dma_wait3A_451 : memref<16x1024xf32, #tpu.memory_space<hbm>>)
        } else {
        }
        %mul3A_417 = arith.constant 16 : i32
        %mul3A_418 = arith.muli %add3A_203, %mul3A_417 : i32
        %add3A_419 = arith.addi %mul3A_2, %mul3A_418 : i32
        %dma_start3A_420 = arith.constant 2 : i32
        %dma_start3A_421 = arith.constant 2 : i32
        %dma_start3A_422 = arith.constant 0 : i32
        %dma_start3A_423 = arith.constant 0 : i32
        %dma_start3A_424 = tpu.memref_slice %arg8[%dma_start3A_420, %dma_start3A_422, %dma_start3A_423] : memref<4x16x1024xf32, #tpu.memory_space<vmem>> -> memref<1x16x1024xf32, #tpu.memory_space<vmem>>
        %dma_start3A_425 = tpu.memref_squeeze %dma_start3A_424 : memref<1x16x1024xf32, #tpu.memory_space<vmem>> -> memref<16x1024xf32, #tpu.memory_space<vmem>>
        %dma_start3A_426 = arith.constant 0 : i32
        %dma_start3A_427 = tpu.memref_slice %arg2[%add3A_419, %dma_start3A_426] : memref<16384x1024xf32, #tpu.memory_space<hbm>> -> memref<16x1024xf32, #tpu.memory_space<hbm>>
        %dma_start3A_428 = tpu.memref_slice %arg10[%dma_start3A_421] : memref<4x!tpu.dma_semaphore, #tpu.memory_space<semaphore_mem>> -> memref<1x!tpu.dma_semaphore, #tpu.memory_space<semaphore_mem>>
        %dma_start3A_429 = tpu.memref_squeeze %dma_start3A_428 : memref<1x!tpu.dma_semaphore, #tpu.memory_space<semaphore_mem>> -> memref<!tpu.dma_semaphore, #tpu.memory_space<semaphore_mem>>
        %dma_start3A_430 = arith.constant 0 : i32
        %dma_start3A_431 = arith.constant 0 : i32
        %dma_start3A_432 = tpu.memref_slice %arg8[%dma_start3A_420, %dma_start3A_430, %dma_start3A_431] : memref<4x16x1024xf32, #tpu.memory_space<vmem>> -> memref<1x16x1024xf32, #tpu.memory_space<vmem>>
        %dma_start3A_433 = tpu.memref_squeeze %dma_start3A_432 : memref<1x16x1024xf32, #tpu.memory_space<vmem>> -> memref<16x1024xf32, #tpu.memory_space<vmem>>
        %dma_start3A_434 = arith.constant 0 : i32
        %dma_start3A_435 = tpu.memref_slice %arg2[%add3A_419, %dma_start3A_434] : memref<16384x1024xf32, #tpu.memory_space<hbm>> -> memref<16x1024xf32, #tpu.memory_space<hbm>>
        tpu.enqueue_dma source(%dma_start3A_435 : memref<16x1024xf32, #tpu.memory_space<hbm>>) target(%dma_start3A_433 : memref<16x1024xf32, #tpu.memory_space<vmem>>) target_semaphore(%dma_start3A_429 : memref<!tpu.dma_semaphore, #tpu.memory_space<semaphore_mem>>)
      } else {
      }
      %add3A_206 = arith.constant 1 : i32
      %add3A_207 = arith.addi %mul3A_145, %add3A_206 : i32
      %mul3A_208 = arith.constant 16 : i32
      %mul3A_209 = arith.muli %add3A_207, %mul3A_208 : i32
      %dma_wait3A_210 = arith.constant 1 : i32
      %dma_wait3A_211 = arith.constant 1 : i32
      %dma_wait3A_212 = arith.constant 0 : i32
      %dma_wait3A_213 = arith.constant 0 : i32
      %dma_wait3A_214 = tpu.memref_slice %arg7[%dma_wait3A_210, %dma_wait3A_212, %dma_wait3A_213] : memref<2x16x512xi32, #tpu.memory_space<vmem>> -> memref<1x16x512xi32, #tpu.memory_space<vmem>>
      %dma_wait3A_215 = tpu.memref_squeeze %dma_wait3A_214 : memref<1x16x512xi32, #tpu.memory_space<vmem>> -> memref<16x512xi32, #tpu.memory_space<vmem>>
      %dma_wait3A_216 = tpu.memref_slice %arg6[%mul3A_209] : memref<512xi32, #tpu.memory_space<vmem>> -> memref<16xi32, #tpu.memory_space<vmem>>
      %dma_wait3A_217 = arith.constant 0 : i32
      %dma_wait3A_218 = arith.constant 0 : i32
      %dma_wait3A_219 = tpu.memref_slice %arg3[%dma_wait3A_217, %dma_wait3A_218] : memref<1024x512xi32, #tpu.memory_space<hbm>> -> memref<1024x512xi32, #tpu.memory_space<hbm>>
      %dma_wait3A_220 = tpu.memref_slice %arg9[%dma_wait3A_211] : memref<2x!tpu.dma_semaphore, #tpu.memory_space<semaphore_mem>> -> memref<1x!tpu.dma_semaphore, #tpu.memory_space<semaphore_mem>>
      %dma_wait3A_221 = tpu.memref_squeeze %dma_wait3A_220 : memref<1x!tpu.dma_semaphore, #tpu.memory_space<semaphore_mem>> -> memref<!tpu.dma_semaphore, #tpu.memory_space<semaphore_mem>>
      tpu.wait_indirect_dma semaphore(%dma_wait3A_221 : memref<!tpu.dma_semaphore, #tpu.memory_space<semaphore_mem>>) src(%dma_wait3A_219 : memref<1024x512xi32, #tpu.memory_space<hbm>>) dst(%dma_wait3A_215 : memref<16x512xi32, #tpu.memory_space<vmem>>)
      %mul3A_222 = arith.constant 16 : i32
      %mul3A_223 = arith.muli %add3A_207, %mul3A_222 : i32
      %add3A_224 = arith.addi %mul3A_2, %mul3A_223 : i32
      %dma_wait3A_225 = arith.constant 1 : i32
      %dma_wait3A_226 = arith.constant 1 : i32
      %dma_wait3A_227 = arith.constant 0 : i32
      %dma_wait3A_228 = arith.constant 0 : i32
      %dma_wait3A_229 = tpu.memref_slice %arg8[%dma_wait3A_225, %dma_wait3A_227, %dma_wait3A_228] : memref<4x16x1024xf32, #tpu.memory_space<vmem>> -> memref<1x16x1024xf32, #tpu.memory_space<vmem>>
      %dma_wait3A_230 = tpu.memref_squeeze %dma_wait3A_229 : memref<1x16x1024xf32, #tpu.memory_space<vmem>> -> memref<16x1024xf32, #tpu.memory_space<vmem>>
      %dma_wait3A_231 = arith.constant 0 : i32
      %dma_wait3A_232 = tpu.memref_slice %arg2[%add3A_224, %dma_wait3A_231] : memref<16384x1024xf32, #tpu.memory_space<hbm>> -> memref<16x1024xf32, #tpu.memory_space<hbm>>
      %dma_wait3A_233 = tpu.memref_slice %arg10[%dma_wait3A_226] : memref<4x!tpu.dma_semaphore, #tpu.memory_space<semaphore_mem>> -> memref<1x!tpu.dma_semaphore, #tpu.memory_space<semaphore_mem>>
      %dma_wait3A_234 = tpu.memref_squeeze %dma_wait3A_233 : memref<1x!tpu.dma_semaphore, #tpu.memory_space<semaphore_mem>> -> memref<!tpu.dma_semaphore, #tpu.memory_space<semaphore_mem>>
      %dma_wait3A_235 = arith.constant 0 : i32
      %dma_wait3A_236 = arith.constant 0 : i32
      %dma_wait3A_237 = tpu.memref_slice %arg8[%dma_wait3A_225, %dma_wait3A_235, %dma_wait3A_236] : memref<4x16x1024xf32, #tpu.memory_space<vmem>> -> memref<1x16x1024xf32, #tpu.memory_space<vmem>>
      %dma_wait3A_238 = tpu.memref_squeeze %dma_wait3A_237 : memref<1x16x1024xf32, #tpu.memory_space<vmem>> -> memref<16x1024xf32, #tpu.memory_space<vmem>>
      %dma_wait3A_239 = arith.constant 0 : i32
      %dma_wait3A_240 = tpu.memref_slice %arg2[%add3A_224, %dma_wait3A_239] : memref<16384x1024xf32, #tpu.memory_space<hbm>> -> memref<16x1024xf32, #tpu.memory_space<hbm>>
      tpu.wait_dma2 semaphore(%dma_wait3A_234 : memref<!tpu.dma_semaphore, #tpu.memory_space<semaphore_mem>>) src(%dma_wait3A_240 : memref<16x1024xf32, #tpu.memory_space<hbm>>) dst(%dma_wait3A_238 : memref<16x1024xf32, #tpu.memory_space<vmem>>)
      %parallel_loop3A_241 = arith.constant 0 : i32
      %parallel_loop3A_242 = arith.constant 512 : i32
      %parallel_loop3A_243 = arith.constant 1 : i32
      scf.for %parallel_loop3A_399 = %parallel_loop3A_241 to %parallel_loop3A_242 step %parallel_loop3A_243  : i32 {
        %parallel_loop3A_400 = arith.constant 5 : i32
        %parallel_loop3A_401 = arith.shrsi %parallel_loop3A_399, %parallel_loop3A_400 : i32
        %parallel_loop3A_402 = arith.constant 31 : i32
        %parallel_loop3A_403 = arith.andi %parallel_loop3A_399, %parallel_loop3A_402 : i32
        %parallel_loop3A_404 = arith.constant 16 : i32
        %parallel_loop3A_405 = arith.muli %parallel_loop3A_403, %parallel_loop3A_404 : i32
        %parallel_loop3A_406 = arith.constant 1 : i32
        %parallel_loop3A_407 = arith.index_cast %parallel_loop3A_406 : i32 to index
        %parallel_loop3A_408 = arith.index_cast %parallel_loop3A_401 : i32 to index
        %parallel_loop3A_409 = arith.index_cast %parallel_loop3A_405 : i32 to index
        %parallel_loop3A_410 = tpu.vector_load %arg7[%parallel_loop3A_407, %parallel_loop3A_408, %parallel_loop3A_409] {strides = array<i32>} : memref<2x16x512xi32, #tpu.memory_space<vmem>>, vector<1x1x16xi32>,
        %parallel_loop3A_411 = vector.shape_cast %parallel_loop3A_410 : vector<1x1x16xi32> to vector<16xi32>
        %parallel_loop3A_412 = arith.constant 16 : i32
        %parallel_loop3A_413 = vector.broadcast %parallel_loop3A_412 : i32 to vector<16xi32>
        %parallel_loop3A_414 = arith.shli %parallel_loop3A_411, %parallel_loop3A_413 : vector<16xi32>
        %parallel_loop3A_415 = tpu.bitcast %parallel_loop3A_414 : vector<16xi32> -> vector<16xf32>
        %parallel_loop3A_416 = vector.broadcast %scan3A : i32 to vector<16xi32>
        %parallel_loop3A_417 = arith.andi %parallel_loop3A_411, %parallel_loop3A_416 : vector<16xi32>
        %parallel_loop3A_418 = tpu.bitcast %parallel_loop3A_417 : vector<16xi32> -> vector<16xf32>
        %parallel_loop3A_419 = arith.constant 16 : i32
        %parallel_loop3A_420 = arith.muli %parallel_loop3A_403, %parallel_loop3A_419 : i32
        %parallel_loop3A_421 = arith.constant 1 : i32
        %parallel_loop3A_422 = arith.index_cast %parallel_loop3A_421 : i32 to index
        %parallel_loop3A_423 = arith.index_cast %parallel_loop3A_401 : i32 to index
        %parallel_loop3A_424 = arith.index_cast %parallel_loop3A_420 : i32 to index
        %parallel_loop3A_425 = tpu.vector_load %arg8[%parallel_loop3A_422, %parallel_loop3A_423, %parallel_loop3A_424] {strides = array<i32>} : memref<4x16x1024xf32, #tpu.memory_space<vmem>>, vector<1x1x16xf32>,
        %parallel_loop3A_426 = vector.shape_cast %parallel_loop3A_425 : vector<1x1x16xf32> to vector<16xf32>
        %parallel_loop3A_427 = vector.shape_cast %parallel_loop3A_415 : vector<16xf32> to vector<1x1x16xf32>
        tpu.vector_store %arg8[%parallel_loop3A_422, %parallel_loop3A_423, %parallel_loop3A_424], %parallel_loop3A_427 {add = true, strides = array<i32>} : memref<4x16x1024xf32, #tpu.memory_space<vmem>>, vector<1x1x16xf32>,
        %parallel_loop3A_428 = arith.constant 16 : i32
        %parallel_loop3A_429 = arith.muli %parallel_loop3A_403, %parallel_loop3A_428 : i32
        %parallel_loop3A_430 = arith.constant 512 : i32
        %parallel_loop3A_431 = arith.addi %parallel_loop3A_430, %parallel_loop3A_429 : i32
        %parallel_loop3A_432 = arith.constant 1 : i32
        %parallel_loop3A_433 = arith.index_cast %parallel_loop3A_432 : i32 to index
        %parallel_loop3A_434 = arith.index_cast %parallel_loop3A_401 : i32 to index
        %parallel_loop3A_435 = arith.index_cast %parallel_loop3A_431 : i32 to index
        %parallel_loop3A_436 = tpu.vector_load %arg8[%parallel_loop3A_433, %parallel_loop3A_434, %parallel_loop3A_435] {strides = array<i32>} : memref<4x16x1024xf32, #tpu.memory_space<vmem>>, vector<1x1x16xf32>,
        %parallel_loop3A_437 = vector.shape_cast %parallel_loop3A_436 : vector<1x1x16xf32> to vector<16xf32>
        %parallel_loop3A_438 = vector.shape_cast %parallel_loop3A_418 : vector<16xf32> to vector<1x1x16xf32>
        tpu.vector_store %arg8[%parallel_loop3A_433, %parallel_loop3A_434, %parallel_loop3A_435], %parallel_loop3A_438 {add = true, strides = array<i32>} : memref<4x16x1024xf32, #tpu.memory_space<vmem>>, vector<1x1x16xf32>,
      } {sc.loop_unroll_factor = 16 : i64, sc.parallel_access}
      %mul3A_244 = arith.constant 16 : i32
      %mul3A_245 = arith.muli %add3A_207, %mul3A_244 : i32
      %add3A_246 = arith.addi %mul3A_2, %mul3A_245 : i32
      %dma_start3A_247 = arith.constant 1 : i32
      %dma_start3A_248 = arith.constant 1 : i32
      %dma_start3A_249 = arith.constant 0 : i32
      %dma_start3A_250 = arith.constant 0 : i32
      %dma_start3A_251 = tpu.memref_slice %arg8[%dma_start3A_247, %dma_start3A_249, %dma_start3A_250] : memref<4x16x1024xf32, #tpu.memory_space<vmem>> -> memref<1x16x1024xf32, #tpu.memory_space<vmem>>
      %dma_start3A_252 = tpu.memref_squeeze %dma_start3A_251 : memref<1x16x1024xf32, #tpu.memory_space<vmem>> -> memref<16x1024xf32, #tpu.memory_space<vmem>>
      %dma_start3A_253 = arith.constant 0 : i32
      %dma_start3A_254 = tpu.memref_slice %arg5[%add3A_246, %dma_start3A_253] : memref<16384x1024xf32, #tpu.memory_space<hbm>> -> memref<16x1024xf32, #tpu.memory_space<hbm>>
      %dma_start3A_255 = tpu.memref_slice %arg11[%dma_start3A_248] : memref<4x!tpu.dma_semaphore, #tpu.memory_space<semaphore_mem>> -> memref<1x!tpu.dma_semaphore, #tpu.memory_space<semaphore_mem>>
      %dma_start3A_256 = tpu.memref_squeeze %dma_start3A_255 : memref<1x!tpu.dma_semaphore, #tpu.memory_space<semaphore_mem>> -> memref<!tpu.dma_semaphore, #tpu.memory_space<semaphore_mem>>
      %dma_start3A_257 = arith.constant 0 : i32
      %dma_start3A_258 = tpu.memref_slice %arg5[%add3A_246, %dma_start3A_257] : memref<16384x1024xf32, #tpu.memory_space<hbm>> -> memref<16x1024xf32, #tpu.memory_space<hbm>>
      %dma_start3A_259 = arith.constant 0 : i32
      %dma_start3A_260 = arith.constant 0 : i32
      %dma_start3A_261 = tpu.memref_slice %arg8[%dma_start3A_247, %dma_start3A_259, %dma_start3A_260] : memref<4x16x1024xf32, #tpu.memory_space<vmem>> -> memref<1x16x1024xf32, #tpu.memory_space<vmem>>
      %dma_start3A_262 = tpu.memref_squeeze %dma_start3A_261 : memref<1x16x1024xf32, #tpu.memory_space<vmem>> -> memref<16x1024xf32, #tpu.memory_space<vmem>>
      tpu.enqueue_dma source(%dma_start3A_262 : memref<16x1024xf32, #tpu.memory_space<vmem>>) target(%dma_start3A_258 : memref<16x1024xf32, #tpu.memory_space<hbm>>) target_semaphore(%dma_start3A_256 : memref<!tpu.dma_semaphore, #tpu.memory_space<semaphore_mem>>)
      %add3A_263 = arith.constant 2 : i32
      %add3A_264 = arith.addi %add3A_207, %add3A_263 : i32
      %lt3A_265 = arith.constant 32 : i32
      %lt3A_266 = arith.cmpi slt, %add3A_264, %lt3A_265 : i32
      %convert_element_type3A_267 = arith.extui %lt3A_266 : i1 to i32
      %cond3A_268 = arith.constant 0 : i32
      %cond3A_269 = arith.cmpi ne, %convert_element_type3A_267, %cond3A_268 : i32
      scf.if %cond3A_269 {
        %mul3A_399 = arith.constant 16 : i32
        %mul3A_400 = arith.muli %add3A_264, %mul3A_399 : i32
        %dma_start3A_401 = arith.constant 1 : i32
        %dma_start3A_402 = arith.constant 1 : i32
        %dma_start3A_403 = arith.constant 0 : i32
        %dma_start3A_404 = arith.constant 0 : i32
        %dma_start3A_405 = tpu.memref_slice %arg7[%dma_start3A_401, %dma_start3A_403, %dma_start3A_404] : memref<2x16x512xi32, #tpu.memory_space<vmem>> -> memref<1x16x512xi32, #tpu.memory_space<vmem>>
        %dma_start3A_406 = tpu.memref_squeeze %dma_start3A_405 : memref<1x16x512xi32, #tpu.memory_space<vmem>> -> memref<16x512xi32, #tpu.memory_space<vmem>>
        %dma_start3A_407 = tpu.memref_slice %arg6[%mul3A_400] : memref<512xi32, #tpu.memory_space<vmem>> -> memref<16xi32, #tpu.memory_space<vmem>>
        %dma_start3A_408 = arith.constant 0 : i32
        %dma_start3A_409 = arith.constant 0 : i32
        %dma_start3A_410 = tpu.memref_slice %arg3[%dma_start3A_408, %dma_start3A_409] : memref<1024x512xi32, #tpu.memory_space<hbm>> -> memref<1024x512xi32, #tpu.memory_space<hbm>>
        %dma_start3A_411 = tpu.memref_slice %arg9[%dma_start3A_402] : memref<2x!tpu.dma_semaphore, #tpu.memory_space<semaphore_mem>> -> memref<1x!tpu.dma_semaphore, #tpu.memory_space<semaphore_mem>>
        %dma_start3A_412 = tpu.memref_squeeze %dma_start3A_411 : memref<1x!tpu.dma_semaphore, #tpu.memory_space<semaphore_mem>> -> memref<!tpu.dma_semaphore, #tpu.memory_space<semaphore_mem>>
        tpu.enqueue_indirect_dma source(%dma_start3A_410 : memref<1024x512xi32, #tpu.memory_space<hbm>>) target(%dma_start3A_406 : memref<16x512xi32, #tpu.memory_space<vmem>>) offsets(%dma_start3A_407 : memref<16xi32, #tpu.memory_space<vmem>>) semaphore(%dma_start3A_412 : memref<!tpu.dma_semaphore, #tpu.memory_space<semaphore_mem>>)
        %ge3A = arith.constant 2 : i32
        %ge3A_413 = arith.cmpi sge, %add3A_207, %ge3A : i32
        %convert_element_type3A_414 = arith.extui %ge3A_413 : i1 to i32
        %cond3A_415 = arith.constant 0 : i32
        %cond3A_416 = arith.cmpi ne, %convert_element_type3A_414, %cond3A_415 : i32
        scf.if %cond3A_416 {
          %sub3A = arith.constant 2 : i32
          %sub3A_436 = arith.subi %add3A_207, %sub3A : i32
          %mul3A_437 = arith.constant 16 : i32
          %mul3A_438 = arith.muli %sub3A_436, %mul3A_437 : i32
          %add3A_439 = arith.addi %mul3A_2, %mul3A_438 : i32
          %dma_wait3A_440 = arith.constant 3 : i32
          %dma_wait3A_441 = arith.constant 3 : i32
          %dma_wait3A_442 = arith.constant 0 : i32
          %dma_wait3A_443 = arith.constant 0 : i32
          %dma_wait3A_444 = tpu.memref_slice %arg8[%dma_wait3A_440, %dma_wait3A_442, %dma_wait3A_443] : memref<4x16x1024xf32, #tpu.memory_space<vmem>> -> memref<1x16x1024xf32, #tpu.memory_space<vmem>>
          %dma_wait3A_445 = tpu.memref_squeeze %dma_wait3A_444 : memref<1x16x1024xf32, #tpu.memory_space<vmem>> -> memref<16x1024xf32, #tpu.memory_space<vmem>>
          %dma_wait3A_446 = arith.constant 0 : i32
          %dma_wait3A_447 = tpu.memref_slice %arg5[%add3A_439, %dma_wait3A_446] : memref<16384x1024xf32, #tpu.memory_space<hbm>> -> memref<16x1024xf32, #tpu.memory_space<hbm>>
          %dma_wait3A_448 = tpu.memref_slice %arg11[%dma_wait3A_441] : memref<4x!tpu.dma_semaphore, #tpu.memory_space<semaphore_mem>> -> memref<1x!tpu.dma_semaphore, #tpu.memory_space<semaphore_mem>>
          %dma_wait3A_449 = tpu.memref_squeeze %dma_wait3A_448 : memref<1x!tpu.dma_semaphore, #tpu.memory_space<semaphore_mem>> -> memref<!tpu.dma_semaphore, #tpu.memory_space<semaphore_mem>>
          %dma_wait3A_450 = arith.constant 0 : i32
          %dma_wait3A_451 = tpu.memref_slice %arg5[%add3A_439, %dma_wait3A_450] : memref<16384x1024xf32, #tpu.memory_space<hbm>> -> memref<16x1024xf32, #tpu.memory_space<hbm>>
          %dma_wait3A_452 = arith.constant 0 : i32
          %dma_wait3A_453 = arith.constant 0 : i32
          %dma_wait3A_454 = tpu.memref_slice %arg8[%dma_wait3A_440, %dma_wait3A_452, %dma_wait3A_453] : memref<4x16x1024xf32, #tpu.memory_space<vmem>> -> memref<1x16x1024xf32, #tpu.memory_space<vmem>>
          %dma_wait3A_455 = tpu.memref_squeeze %dma_wait3A_454 : memref<1x16x1024xf32, #tpu.memory_space<vmem>> -> memref<16x1024xf32, #tpu.memory_space<vmem>>
          tpu.wait_dma2 semaphore(%dma_wait3A_449 : memref<!tpu.dma_semaphore, #tpu.memory_space<semaphore_mem>>) src(%dma_wait3A_455 : memref<16x1024xf32, #tpu.memory_space<vmem>>) dst(%dma_wait3A_451 : memref<16x1024xf32, #tpu.memory_space<hbm>>)
        } else {
        }
        %mul3A_417 = arith.constant 16 : i32
        %mul3A_418 = arith.muli %add3A_264, %mul3A_417 : i32
        %add3A_419 = arith.addi %mul3A_2, %mul3A_418 : i32
        %dma_start3A_420 = arith.constant 3 : i32
        %dma_start3A_421 = arith.constant 3 : i32
        %dma_start3A_422 = arith.constant 0 : i32
        %dma_start3A_423 = arith.constant 0 : i32
        %dma_start3A_424 = tpu.memref_slice %arg8[%dma_start3A_420, %dma_start3A_422, %dma_start3A_423] : memref<4x16x1024xf32, #tpu.memory_space<vmem>> -> memref<1x16x1024xf32, #tpu.memory_space<vmem>>
        %dma_start3A_425 = tpu.memref_squeeze %dma_start3A_424 : memref<1x16x1024xf32, #tpu.memory_space<vmem>> -> memref<16x1024xf32, #tpu.memory_space<vmem>>
        %dma_start3A_426 = arith.constant 0 : i32
        %dma_start3A_427 = tpu.memref_slice %arg2[%add3A_419, %dma_start3A_426] : memref<16384x1024xf32, #tpu.memory_space<hbm>> -> memref<16x1024xf32, #tpu.memory_space<hbm>>
        %dma_start3A_428 = tpu.memref_slice %arg10[%dma_start3A_421] : memref<4x!tpu.dma_semaphore, #tpu.memory_space<semaphore_mem>> -> memref<1x!tpu.dma_semaphore, #tpu.memory_space<semaphore_mem>>
        %dma_start3A_429 = tpu.memref_squeeze %dma_start3A_428 : memref<1x!tpu.dma_semaphore, #tpu.memory_space<semaphore_mem>> -> memref<!tpu.dma_semaphore, #tpu.memory_space<semaphore_mem>>
        %dma_start3A_430 = arith.constant 0 : i32
        %dma_start3A_431 = arith.constant 0 : i32
        %dma_start3A_432 = tpu.memref_slice %arg8[%dma_start3A_420, %dma_start3A_430, %dma_start3A_431] : memref<4x16x1024xf32, #tpu.memory_space<vmem>> -> memref<1x16x1024xf32, #tpu.memory_space<vmem>>
        %dma_start3A_433 = tpu.memref_squeeze %dma_start3A_432 : memref<1x16x1024xf32, #tpu.memory_space<vmem>> -> memref<16x1024xf32, #tpu.memory_space<vmem>>
        %dma_start3A_434 = arith.constant 0 : i32
        %dma_start3A_435 = tpu.memref_slice %arg2[%add3A_419, %dma_start3A_434] : memref<16384x1024xf32, #tpu.memory_space<hbm>> -> memref<16x1024xf32, #tpu.memory_space<hbm>>
        tpu.enqueue_dma source(%dma_start3A_435 : memref<16x1024xf32, #tpu.memory_space<hbm>>) target(%dma_start3A_433 : memref<16x1024xf32, #tpu.memory_space<vmem>>) target_semaphore(%dma_start3A_429 : memref<!tpu.dma_semaphore, #tpu.memory_space<semaphore_mem>>)
      } else {
      }
      %add3A_270 = arith.constant 2 : i32
      %add3A_271 = arith.addi %mul3A_145, %add3A_270 : i32
      %mul3A_272 = arith.constant 16 : i32
      %mul3A_273 = arith.muli %add3A_271, %mul3A_272 : i32
      %dma_wait3A_274 = arith.constant 0 : i32
      %dma_wait3A_275 = arith.constant 0 : i32
      %dma_wait3A_276 = arith.constant 0 : i32
      %dma_wait3A_277 = arith.constant 0 : i32
      %dma_wait3A_278 = tpu.memref_slice %arg7[%dma_wait3A_274, %dma_wait3A_276, %dma_wait3A_277] : memref<2x16x512xi32, #tpu.memory_space<vmem>> -> memref<1x16x512xi32, #tpu.memory_space<vmem>>
      %dma_wait3A_279 = tpu.memref_squeeze %dma_wait3A_278 : memref<1x16x512xi32, #tpu.memory_space<vmem>> -> memref<16x512xi32, #tpu.memory_space<vmem>>
      %dma_wait3A_280 = tpu.memref_slice %arg6[%mul3A_273] : memref<512xi32, #tpu.memory_space<vmem>> -> memref<16xi32, #tpu.memory_space<vmem>>
      %dma_wait3A_281 = arith.constant 0 : i32
      %dma_wait3A_282 = arith.constant 0 : i32
      %dma_wait3A_283 = tpu.memref_slice %arg3[%dma_wait3A_281, %dma_wait3A_282] : memref<1024x512xi32, #tpu.memory_space<hbm>> -> memref<1024x512xi32, #tpu.memory_space<hbm>>
      %dma_wait3A_284 = tpu.memref_slice %arg9[%dma_wait3A_275] : memref<2x!tpu.dma_semaphore, #tpu.memory_space<semaphore_mem>> -> memref<1x!tpu.dma_semaphore, #tpu.memory_space<semaphore_mem>>
      %dma_wait3A_285 = tpu.memref_squeeze %dma_wait3A_284 : memref<1x!tpu.dma_semaphore, #tpu.memory_space<semaphore_mem>> -> memref<!tpu.dma_semaphore, #tpu.memory_space<semaphore_mem>>
      tpu.wait_indirect_dma semaphore(%dma_wait3A_285 : memref<!tpu.dma_semaphore, #tpu.memory_space<semaphore_mem>>) src(%dma_wait3A_283 : memref<1024x512xi32, #tpu.memory_space<hbm>>) dst(%dma_wait3A_279 : memref<16x512xi32, #tpu.memory_space<vmem>>)
      %mul3A_286 = arith.constant 16 : i32
      %mul3A_287 = arith.muli %add3A_271, %mul3A_286 : i32
      %add3A_288 = arith.addi %mul3A_2, %mul3A_287 : i32
      %dma_wait3A_289 = arith.constant 2 : i32
      %dma_wait3A_290 = arith.constant 2 : i32
      %dma_wait3A_291 = arith.constant 0 : i32
      %dma_wait3A_292 = arith.constant 0 : i32
      %dma_wait3A_293 = tpu.memref_slice %arg8[%dma_wait3A_289, %dma_wait3A_291, %dma_wait3A_292] : memref<4x16x1024xf32, #tpu.memory_space<vmem>> -> memref<1x16x1024xf32, #tpu.memory_space<vmem>>
      %dma_wait3A_294 = tpu.memref_squeeze %dma_wait3A_293 : memref<1x16x1024xf32, #tpu.memory_space<vmem>> -> memref<16x1024xf32, #tpu.memory_space<vmem>>
      %dma_wait3A_295 = arith.constant 0 : i32
      %dma_wait3A_296 = tpu.memref_slice %arg2[%add3A_288, %dma_wait3A_295] : memref<16384x1024xf32, #tpu.memory_space<hbm>> -> memref<16x1024xf32, #tpu.memory_space<hbm>>
      %dma_wait3A_297 = tpu.memref_slice %arg10[%dma_wait3A_290] : memref<4x!tpu.dma_semaphore, #tpu.memory_space<semaphore_mem>> -> memref<1x!tpu.dma_semaphore, #tpu.memory_space<semaphore_mem>>
      %dma_wait3A_298 = tpu.memref_squeeze %dma_wait3A_297 : memref<1x!tpu.dma_semaphore, #tpu.memory_space<semaphore_mem>> -> memref<!tpu.dma_semaphore, #tpu.memory_space<semaphore_mem>>
      %dma_wait3A_299 = arith.constant 0 : i32
      %dma_wait3A_300 = arith.constant 0 : i32
      %dma_wait3A_301 = tpu.memref_slice %arg8[%dma_wait3A_289, %dma_wait3A_299, %dma_wait3A_300] : memref<4x16x1024xf32, #tpu.memory_space<vmem>> -> memref<1x16x1024xf32, #tpu.memory_space<vmem>>
      %dma_wait3A_302 = tpu.memref_squeeze %dma_wait3A_301 : memref<1x16x1024xf32, #tpu.memory_space<vmem>> -> memref<16x1024xf32, #tpu.memory_space<vmem>>
      %dma_wait3A_303 = arith.constant 0 : i32
      %dma_wait3A_304 = tpu.memref_slice %arg2[%add3A_288, %dma_wait3A_303] : memref<16384x1024xf32, #tpu.memory_space<hbm>> -> memref<16x1024xf32, #tpu.memory_space<hbm>>
      tpu.wait_dma2 semaphore(%dma_wait3A_298 : memref<!tpu.dma_semaphore, #tpu.memory_space<semaphore_mem>>) src(%dma_wait3A_304 : memref<16x1024xf32, #tpu.memory_space<hbm>>) dst(%dma_wait3A_302 : memref<16x1024xf32, #tpu.memory_space<vmem>>)
      %parallel_loop3A_305 = arith.constant 0 : i32
      %parallel_loop3A_306 = arith.constant 512 : i32
      %parallel_loop3A_307 = arith.constant 1 : i32
      scf.for %parallel_loop3A_399 = %parallel_loop3A_305 to %parallel_loop3A_306 step %parallel_loop3A_307  : i32 {
        %parallel_loop3A_400 = arith.constant 5 : i32
        %parallel_loop3A_401 = arith.shrsi %parallel_loop3A_399, %parallel_loop3A_400 : i32
        %parallel_loop3A_402 = arith.constant 31 : i32
        %parallel_loop3A_403 = arith.andi %parallel_loop3A_399, %parallel_loop3A_402 : i32
        %parallel_loop3A_404 = arith.constant 16 : i32
        %parallel_loop3A_405 = arith.muli %parallel_loop3A_403, %parallel_loop3A_404 : i32
        %parallel_loop3A_406 = arith.constant 0 : i32
        %parallel_loop3A_407 = arith.index_cast %parallel_loop3A_406 : i32 to index
        %parallel_loop3A_408 = arith.index_cast %parallel_loop3A_401 : i32 to index
        %parallel_loop3A_409 = arith.index_cast %parallel_loop3A_405 : i32 to index
        %parallel_loop3A_410 = tpu.vector_load %arg7[%parallel_loop3A_407, %parallel_loop3A_408, %parallel_loop3A_409] {strides = array<i32>} : memref<2x16x512xi32, #tpu.memory_space<vmem>>, vector<1x1x16xi32>,
        %parallel_loop3A_411 = vector.shape_cast %parallel_loop3A_410 : vector<1x1x16xi32> to vector<16xi32>
        %parallel_loop3A_412 = arith.constant 16 : i32
        %parallel_loop3A_413 = vector.broadcast %parallel_loop3A_412 : i32 to vector<16xi32>
        %parallel_loop3A_414 = arith.shli %parallel_loop3A_411, %parallel_loop3A_413 : vector<16xi32>
        %parallel_loop3A_415 = tpu.bitcast %parallel_loop3A_414 : vector<16xi32> -> vector<16xf32>
        %parallel_loop3A_416 = vector.broadcast %scan3A : i32 to vector<16xi32>
        %parallel_loop3A_417 = arith.andi %parallel_loop3A_411, %parallel_loop3A_416 : vector<16xi32>
        %parallel_loop3A_418 = tpu.bitcast %parallel_loop3A_417 : vector<16xi32> -> vector<16xf32>
        %parallel_loop3A_419 = arith.constant 16 : i32
        %parallel_loop3A_420 = arith.muli %parallel_loop3A_403, %parallel_loop3A_419 : i32
        %parallel_loop3A_421 = arith.constant 2 : i32
        %parallel_loop3A_422 = arith.index_cast %parallel_loop3A_421 : i32 to index
        %parallel_loop3A_423 = arith.index_cast %parallel_loop3A_401 : i32 to index
        %parallel_loop3A_424 = arith.index_cast %parallel_loop3A_420 : i32 to index
        %parallel_loop3A_425 = tpu.vector_load %arg8[%parallel_loop3A_422, %parallel_loop3A_423, %parallel_loop3A_424] {strides = array<i32>} : memref<4x16x1024xf32, #tpu.memory_space<vmem>>, vector<1x1x16xf32>,
        %parallel_loop3A_426 = vector.shape_cast %parallel_loop3A_425 : vector<1x1x16xf32> to vector<16xf32>
        %parallel_loop3A_427 = vector.shape_cast %parallel_loop3A_415 : vector<16xf32> to vector<1x1x16xf32>
        tpu.vector_store %arg8[%parallel_loop3A_422, %parallel_loop3A_423, %parallel_loop3A_424], %parallel_loop3A_427 {add = true, strides = array<i32>} : memref<4x16x1024xf32, #tpu.memory_space<vmem>>, vector<1x1x16xf32>,
        %parallel_loop3A_428 = arith.constant 16 : i32
        %parallel_loop3A_429 = arith.muli %parallel_loop3A_403, %parallel_loop3A_428 : i32
        %parallel_loop3A_430 = arith.constant 512 : i32
        %parallel_loop3A_431 = arith.addi %parallel_loop3A_430, %parallel_loop3A_429 : i32
        %parallel_loop3A_432 = arith.constant 2 : i32
        %parallel_loop3A_433 = arith.index_cast %parallel_loop3A_432 : i32 to index
        %parallel_loop3A_434 = arith.index_cast %parallel_loop3A_401 : i32 to index
        %parallel_loop3A_435 = arith.index_cast %parallel_loop3A_431 : i32 to index
        %parallel_loop3A_436 = tpu.vector_load %arg8[%parallel_loop3A_433, %parallel_loop3A_434, %parallel_loop3A_435] {strides = array<i32>} : memref<4x16x1024xf32, #tpu.memory_space<vmem>>, vector<1x1x16xf32>,
        %parallel_loop3A_437 = vector.shape_cast %parallel_loop3A_436 : vector<1x1x16xf32> to vector<16xf32>
        %parallel_loop3A_438 = vector.shape_cast %parallel_loop3A_418 : vector<16xf32> to vector<1x1x16xf32>
        tpu.vector_store %arg8[%parallel_loop3A_433, %parallel_loop3A_434, %parallel_loop3A_435], %parallel_loop3A_438 {add = true, strides = array<i32>} : memref<4x16x1024xf32, #tpu.memory_space<vmem>>, vector<1x1x16xf32>,
      } {sc.loop_unroll_factor = 16 : i64, sc.parallel_access}
      %mul3A_308 = arith.constant 16 : i32
      %mul3A_309 = arith.muli %add3A_271, %mul3A_308 : i32
      %add3A_310 = arith.addi %mul3A_2, %mul3A_309 : i32
      %dma_start3A_311 = arith.constant 2 : i32
      %dma_start3A_312 = arith.constant 2 : i32
      %dma_start3A_313 = arith.constant 0 : i32
      %dma_start3A_314 = arith.constant 0 : i32
      %dma_start3A_315 = tpu.memref_slice %arg8[%dma_start3A_311, %dma_start3A_313, %dma_start3A_314] : memref<4x16x1024xf32, #tpu.memory_space<vmem>> -> memref<1x16x1024xf32, #tpu.memory_space<vmem>>
      %dma_start3A_316 = tpu.memref_squeeze %dma_start3A_315 : memref<1x16x1024xf32, #tpu.memory_space<vmem>> -> memref<16x1024xf32, #tpu.memory_space<vmem>>
      %dma_start3A_317 = arith.constant 0 : i32
      %dma_start3A_318 = tpu.memref_slice %arg5[%add3A_310, %dma_start3A_317] : memref<16384x1024xf32, #tpu.memory_space<hbm>> -> memref<16x1024xf32, #tpu.memory_space<hbm>>
      %dma_start3A_319 = tpu.memref_slice %arg11[%dma_start3A_312] : memref<4x!tpu.dma_semaphore, #tpu.memory_space<semaphore_mem>> -> memref<1x!tpu.dma_semaphore, #tpu.memory_space<semaphore_mem>>
      %dma_start3A_320 = tpu.memref_squeeze %dma_start3A_319 : memref<1x!tpu.dma_semaphore, #tpu.memory_space<semaphore_mem>> -> memref<!tpu.dma_semaphore, #tpu.memory_space<semaphore_mem>>
      %dma_start3A_321 = arith.constant 0 : i32
      %dma_start3A_322 = tpu.memref_slice %arg5[%add3A_310, %dma_start3A_321] : memref<16384x1024xf32, #tpu.memory_space<hbm>> -> memref<16x1024xf32, #tpu.memory_space<hbm>>
      %dma_start3A_323 = arith.constant 0 : i32
      %dma_start3A_324 = arith.constant 0 : i32
      %dma_start3A_325 = tpu.memref_slice %arg8[%dma_start3A_311, %dma_start3A_323, %dma_start3A_324] : memref<4x16x1024xf32, #tpu.memory_space<vmem>> -> memref<1x16x1024xf32, #tpu.memory_space<vmem>>
      %dma_start3A_326 = tpu.memref_squeeze %dma_start3A_325 : memref<1x16x1024xf32, #tpu.memory_space<vmem>> -> memref<16x1024xf32, #tpu.memory_space<vmem>>
      tpu.enqueue_dma source(%dma_start3A_326 : memref<16x1024xf32, #tpu.memory_space<vmem>>) target(%dma_start3A_322 : memref<16x1024xf32, #tpu.memory_space<hbm>>) target_semaphore(%dma_start3A_320 : memref<!tpu.dma_semaphore, #tpu.memory_space<semaphore_mem>>)
      %add3A_327 = arith.constant 2 : i32
      %add3A_328 = arith.addi %add3A_271, %add3A_327 : i32
      %lt3A_329 = arith.constant 32 : i32
      %lt3A_330 = arith.cmpi slt, %add3A_328, %lt3A_329 : i32
      %convert_element_type3A_331 = arith.extui %lt3A_330 : i1 to i32
      %cond3A_332 = arith.constant 0 : i32
      %cond3A_333 = arith.cmpi ne, %convert_element_type3A_331, %cond3A_332 : i32
      scf.if %cond3A_333 {
        %mul3A_399 = arith.constant 16 : i32
        %mul3A_400 = arith.muli %add3A_328, %mul3A_399 : i32
        %dma_start3A_401 = arith.constant 0 : i32
        %dma_start3A_402 = arith.constant 0 : i32
        %dma_start3A_403 = arith.constant 0 : i32
        %dma_start3A_404 = arith.constant 0 : i32
        %dma_start3A_405 = tpu.memref_slice %arg7[%dma_start3A_401, %dma_start3A_403, %dma_start3A_404] : memref<2x16x512xi32, #tpu.memory_space<vmem>> -> memref<1x16x512xi32, #tpu.memory_space<vmem>>
        %dma_start3A_406 = tpu.memref_squeeze %dma_start3A_405 : memref<1x16x512xi32, #tpu.memory_space<vmem>> -> memref<16x512xi32, #tpu.memory_space<vmem>>
        %dma_start3A_407 = tpu.memref_slice %arg6[%mul3A_400] : memref<512xi32, #tpu.memory_space<vmem>> -> memref<16xi32, #tpu.memory_space<vmem>>
        %dma_start3A_408 = arith.constant 0 : i32
        %dma_start3A_409 = arith.constant 0 : i32
        %dma_start3A_410 = tpu.memref_slice %arg3[%dma_start3A_408, %dma_start3A_409] : memref<1024x512xi32, #tpu.memory_space<hbm>> -> memref<1024x512xi32, #tpu.memory_space<hbm>>
        %dma_start3A_411 = tpu.memref_slice %arg9[%dma_start3A_402] : memref<2x!tpu.dma_semaphore, #tpu.memory_space<semaphore_mem>> -> memref<1x!tpu.dma_semaphore, #tpu.memory_space<semaphore_mem>>
        %dma_start3A_412 = tpu.memref_squeeze %dma_start3A_411 : memref<1x!tpu.dma_semaphore, #tpu.memory_space<semaphore_mem>> -> memref<!tpu.dma_semaphore, #tpu.memory_space<semaphore_mem>>
        tpu.enqueue_indirect_dma source(%dma_start3A_410 : memref<1024x512xi32, #tpu.memory_space<hbm>>) target(%dma_start3A_406 : memref<16x512xi32, #tpu.memory_space<vmem>>) offsets(%dma_start3A_407 : memref<16xi32, #tpu.memory_space<vmem>>) semaphore(%dma_start3A_412 : memref<!tpu.dma_semaphore, #tpu.memory_space<semaphore_mem>>)
        %ge3A = arith.constant 2 : i32
        %ge3A_413 = arith.cmpi sge, %add3A_271, %ge3A : i32
        %convert_element_type3A_414 = arith.extui %ge3A_413 : i1 to i32
        %cond3A_415 = arith.constant 0 : i32
        %cond3A_416 = arith.cmpi ne, %convert_element_type3A_414, %cond3A_415 : i32
        scf.if %cond3A_416 {
          %sub3A = arith.constant 2 : i32
          %sub3A_436 = arith.subi %add3A_271, %sub3A : i32
          %mul3A_437 = arith.constant 16 : i32
          %mul3A_438 = arith.muli %sub3A_436, %mul3A_437 : i32
          %add3A_439 = arith.addi %mul3A_2, %mul3A_438 : i32
          %dma_wait3A_440 = arith.constant 0 : i32
          %dma_wait3A_441 = arith.constant 0 : i32
          %dma_wait3A_442 = arith.constant 0 : i32
          %dma_wait3A_443 = arith.constant 0 : i32
          %dma_wait3A_444 = tpu.memref_slice %arg8[%dma_wait3A_440, %dma_wait3A_442, %dma_wait3A_443] : memref<4x16x1024xf32, #tpu.memory_space<vmem>> -> memref<1x16x1024xf32, #tpu.memory_space<vmem>>
          %dma_wait3A_445 = tpu.memref_squeeze %dma_wait3A_444 : memref<1x16x1024xf32, #tpu.memory_space<vmem>> -> memref<16x1024xf32, #tpu.memory_space<vmem>>
          %dma_wait3A_446 = arith.constant 0 : i32
          %dma_wait3A_447 = tpu.memref_slice %arg5[%add3A_439, %dma_wait3A_446] : memref<16384x1024xf32, #tpu.memory_space<hbm>> -> memref<16x1024xf32, #tpu.memory_space<hbm>>
          %dma_wait3A_448 = tpu.memref_slice %arg11[%dma_wait3A_441] : memref<4x!tpu.dma_semaphore, #tpu.memory_space<semaphore_mem>> -> memref<1x!tpu.dma_semaphore, #tpu.memory_space<semaphore_mem>>
          %dma_wait3A_449 = tpu.memref_squeeze %dma_wait3A_448 : memref<1x!tpu.dma_semaphore, #tpu.memory_space<semaphore_mem>> -> memref<!tpu.dma_semaphore, #tpu.memory_space<semaphore_mem>>
          %dma_wait3A_450 = arith.constant 0 : i32
          %dma_wait3A_451 = tpu.memref_slice %arg5[%add3A_439, %dma_wait3A_450] : memref<16384x1024xf32, #tpu.memory_space<hbm>> -> memref<16x1024xf32, #tpu.memory_space<hbm>>
          %dma_wait3A_452 = arith.constant 0 : i32
          %dma_wait3A_453 = arith.constant 0 : i32
          %dma_wait3A_454 = tpu.memref_slice %arg8[%dma_wait3A_440, %dma_wait3A_452, %dma_wait3A_453] : memref<4x16x1024xf32, #tpu.memory_space<vmem>> -> memref<1x16x1024xf32, #tpu.memory_space<vmem>>
          %dma_wait3A_455 = tpu.memref_squeeze %dma_wait3A_454 : memref<1x16x1024xf32, #tpu.memory_space<vmem>> -> memref<16x1024xf32, #tpu.memory_space<vmem>>
          tpu.wait_dma2 semaphore(%dma_wait3A_449 : memref<!tpu.dma_semaphore, #tpu.memory_space<semaphore_mem>>) src(%dma_wait3A_455 : memref<16x1024xf32, #tpu.memory_space<vmem>>) dst(%dma_wait3A_451 : memref<16x1024xf32, #tpu.memory_space<hbm>>)
        } else {
        }
        %mul3A_417 = arith.constant 16 : i32
        %mul3A_418 = arith.muli %add3A_328, %mul3A_417 : i32
        %add3A_419 = arith.addi %mul3A_2, %mul3A_418 : i32
        %dma_start3A_420 = arith.constant 0 : i32
        %dma_start3A_421 = arith.constant 0 : i32
        %dma_start3A_422 = arith.constant 0 : i32
        %dma_start3A_423 = arith.constant 0 : i32
        %dma_start3A_424 = tpu.memref_slice %arg8[%dma_start3A_420, %dma_start3A_422, %dma_start3A_423] : memref<4x16x1024xf32, #tpu.memory_space<vmem>> -> memref<1x16x1024xf32, #tpu.memory_space<vmem>>
        %dma_start3A_425 = tpu.memref_squeeze %dma_start3A_424 : memref<1x16x1024xf32, #tpu.memory_space<vmem>> -> memref<16x1024xf32, #tpu.memory_space<vmem>>
        %dma_start3A_426 = arith.constant 0 : i32
        %dma_start3A_427 = tpu.memref_slice %arg2[%add3A_419, %dma_start3A_426] : memref<16384x1024xf32, #tpu.memory_space<hbm>> -> memref<16x1024xf32, #tpu.memory_space<hbm>>
        %dma_start3A_428 = tpu.memref_slice %arg10[%dma_start3A_421] : memref<4x!tpu.dma_semaphore, #tpu.memory_space<semaphore_mem>> -> memref<1x!tpu.dma_semaphore, #tpu.memory_space<semaphore_mem>>
        %dma_start3A_429 = tpu.memref_squeeze %dma_start3A_428 : memref<1x!tpu.dma_semaphore, #tpu.memory_space<semaphore_mem>> -> memref<!tpu.dma_semaphore, #tpu.memory_space<semaphore_mem>>
        %dma_start3A_430 = arith.constant 0 : i32
        %dma_start3A_431 = arith.constant 0 : i32
        %dma_start3A_432 = tpu.memref_slice %arg8[%dma_start3A_420, %dma_start3A_430, %dma_start3A_431] : memref<4x16x1024xf32, #tpu.memory_space<vmem>> -> memref<1x16x1024xf32, #tpu.memory_space<vmem>>
        %dma_start3A_433 = tpu.memref_squeeze %dma_start3A_432 : memref<1x16x1024xf32, #tpu.memory_space<vmem>> -> memref<16x1024xf32, #tpu.memory_space<vmem>>
        %dma_start3A_434 = arith.constant 0 : i32
        %dma_start3A_435 = tpu.memref_slice %arg2[%add3A_419, %dma_start3A_434] : memref<16384x1024xf32, #tpu.memory_space<hbm>> -> memref<16x1024xf32, #tpu.memory_space<hbm>>
        tpu.enqueue_dma source(%dma_start3A_435 : memref<16x1024xf32, #tpu.memory_space<hbm>>) target(%dma_start3A_433 : memref<16x1024xf32, #tpu.memory_space<vmem>>) target_semaphore(%dma_start3A_429 : memref<!tpu.dma_semaphore, #tpu.memory_space<semaphore_mem>>)
      } else {
      }
      %add3A_334 = arith.constant 3 : i32
      %add3A_335 = arith.addi %mul3A_145, %add3A_334 : i32
      %mul3A_336 = arith.constant 16 : i32
      %mul3A_337 = arith.muli %add3A_335, %mul3A_336 : i32
      %dma_wait3A_338 = arith.constant 1 : i32
      %dma_wait3A_339 = arith.constant 1 : i32
      %dma_wait3A_340 = arith.constant 0 : i32
      %dma_wait3A_341 = arith.constant 0 : i32
      %dma_wait3A_342 = tpu.memref_slice %arg7[%dma_wait3A_338, %dma_wait3A_340, %dma_wait3A_341] : memref<2x16x512xi32, #tpu.memory_space<vmem>> -> memref<1x16x512xi32, #tpu.memory_space<vmem>>
      %dma_wait3A_343 = tpu.memref_squeeze %dma_wait3A_342 : memref<1x16x512xi32, #tpu.memory_space<vmem>> -> memref<16x512xi32, #tpu.memory_space<vmem>>
      %dma_wait3A_344 = tpu.memref_slice %arg6[%mul3A_337] : memref<512xi32, #tpu.memory_space<vmem>> -> memref<16xi32, #tpu.memory_space<vmem>>
      %dma_wait3A_345 = arith.constant 0 : i32
      %dma_wait3A_346 = arith.constant 0 : i32
      %dma_wait3A_347 = tpu.memref_slice %arg3[%dma_wait3A_345, %dma_wait3A_346] : memref<1024x512xi32, #tpu.memory_space<hbm>> -> memref<1024x512xi32, #tpu.memory_space<hbm>>
      %dma_wait3A_348 = tpu.memref_slice %arg9[%dma_wait3A_339] : memref<2x!tpu.dma_semaphore, #tpu.memory_space<semaphore_mem>> -> memref<1x!tpu.dma_semaphore, #tpu.memory_space<semaphore_mem>>
      %dma_wait3A_349 = tpu.memref_squeeze %dma_wait3A_348 : memref<1x!tpu.dma_semaphore, #tpu.memory_space<semaphore_mem>> -> memref<!tpu.dma_semaphore, #tpu.memory_space<semaphore_mem>>
      tpu.wait_indirect_dma semaphore(%dma_wait3A_349 : memref<!tpu.dma_semaphore, #tpu.memory_space<semaphore_mem>>) src(%dma_wait3A_347 : memref<1024x512xi32, #tpu.memory_space<hbm>>) dst(%dma_wait3A_343 : memref<16x512xi32, #tpu.memory_space<vmem>>)
      %mul3A_350 = arith.constant 16 : i32
      %mul3A_351 = arith.muli %add3A_335, %mul3A_350 : i32
      %add3A_352 = arith.addi %mul3A_2, %mul3A_351 : i32
      %dma_wait3A_353 = arith.constant 3 : i32
      %dma_wait3A_354 = arith.constant 3 : i32
      %dma_wait3A_355 = arith.constant 0 : i32
      %dma_wait3A_356 = arith.constant 0 : i32
      %dma_wait3A_357 = tpu.memref_slice %arg8[%dma_wait3A_353, %dma_wait3A_355, %dma_wait3A_356] : memref<4x16x1024xf32, #tpu.memory_space<vmem>> -> memref<1x16x1024xf32, #tpu.memory_space<vmem>>
      %dma_wait3A_358 = tpu.memref_squeeze %dma_wait3A_357 : memref<1x16x1024xf32, #tpu.memory_space<vmem>> -> memref<16x1024xf32, #tpu.memory_space<vmem>>
      %dma_wait3A_359 = arith.constant 0 : i32
      %dma_wait3A_360 = tpu.memref_slice %arg2[%add3A_352, %dma_wait3A_359] : memref<16384x1024xf32, #tpu.memory_space<hbm>> -> memref<16x1024xf32, #tpu.memory_space<hbm>>
      %dma_wait3A_361 = tpu.memref_slice %arg10[%dma_wait3A_354] : memref<4x!tpu.dma_semaphore, #tpu.memory_space<semaphore_mem>> -> memref<1x!tpu.dma_semaphore, #tpu.memory_space<semaphore_mem>>
      %dma_wait3A_362 = tpu.memref_squeeze %dma_wait3A_361 : memref<1x!tpu.dma_semaphore, #tpu.memory_space<semaphore_mem>> -> memref<!tpu.dma_semaphore, #tpu.memory_space<semaphore_mem>>
      %dma_wait3A_363 = arith.constant 0 : i32
      %dma_wait3A_364 = arith.constant 0 : i32
      %dma_wait3A_365 = tpu.memref_slice %arg8[%dma_wait3A_353, %dma_wait3A_363, %dma_wait3A_364] : memref<4x16x1024xf32, #tpu.memory_space<vmem>> -> memref<1x16x1024xf32, #tpu.memory_space<vmem>>
      %dma_wait3A_366 = tpu.memref_squeeze %dma_wait3A_365 : memref<1x16x1024xf32, #tpu.memory_space<vmem>> -> memref<16x1024xf32, #tpu.memory_space<vmem>>
      %dma_wait3A_367 = arith.constant 0 : i32
      %dma_wait3A_368 = tpu.memref_slice %arg2[%add3A_352, %dma_wait3A_367] : memref<16384x1024xf32, #tpu.memory_space<hbm>> -> memref<16x1024xf32, #tpu.memory_space<hbm>>
      tpu.wait_dma2 semaphore(%dma_wait3A_362 : memref<!tpu.dma_semaphore, #tpu.memory_space<semaphore_mem>>) src(%dma_wait3A_368 : memref<16x1024xf32, #tpu.memory_space<hbm>>) dst(%dma_wait3A_366 : memref<16x1024xf32, #tpu.memory_space<vmem>>)
      %parallel_loop3A_369 = arith.constant 0 : i32
      %parallel_loop3A_370 = arith.constant 512 : i32
      %parallel_loop3A_371 = arith.constant 1 : i32
      scf.for %parallel_loop3A_399 = %parallel_loop3A_369 to %parallel_loop3A_370 step %parallel_loop3A_371  : i32 {
        %parallel_loop3A_400 = arith.constant 5 : i32
        %parallel_loop3A_401 = arith.shrsi %parallel_loop3A_399, %parallel_loop3A_400 : i32
        %parallel_loop3A_402 = arith.constant 31 : i32
        %parallel_loop3A_403 = arith.andi %parallel_loop3A_399, %parallel_loop3A_402 : i32
        %parallel_loop3A_404 = arith.constant 16 : i32
        %parallel_loop3A_405 = arith.muli %parallel_loop3A_403, %parallel_loop3A_404 : i32
        %parallel_loop3A_406 = arith.constant 1 : i32
        %parallel_loop3A_407 = arith.index_cast %parallel_loop3A_406 : i32 to index
        %parallel_loop3A_408 = arith.index_cast %parallel_loop3A_401 : i32 to index
        %parallel_loop3A_409 = arith.index_cast %parallel_loop3A_405 : i32 to index
        %parallel_loop3A_410 = tpu.vector_load %arg7[%parallel_loop3A_407, %parallel_loop3A_408, %parallel_loop3A_409] {strides = array<i32>} : memref<2x16x512xi32, #tpu.memory_space<vmem>>, vector<1x1x16xi32>,
        %parallel_loop3A_411 = vector.shape_cast %parallel_loop3A_410 : vector<1x1x16xi32> to vector<16xi32>
        %parallel_loop3A_412 = arith.constant 16 : i32
        %parallel_loop3A_413 = vector.broadcast %parallel_loop3A_412 : i32 to vector<16xi32>
        %parallel_loop3A_414 = arith.shli %parallel_loop3A_411, %parallel_loop3A_413 : vector<16xi32>
        %parallel_loop3A_415 = tpu.bitcast %parallel_loop3A_414 : vector<16xi32> -> vector<16xf32>
        %parallel_loop3A_416 = vector.broadcast %scan3A : i32 to vector<16xi32>
        %parallel_loop3A_417 = arith.andi %parallel_loop3A_411, %parallel_loop3A_416 : vector<16xi32>
        %parallel_loop3A_418 = tpu.bitcast %parallel_loop3A_417 : vector<16xi32> -> vector<16xf32>
        %parallel_loop3A_419 = arith.constant 16 : i32
        %parallel_loop3A_420 = arith.muli %parallel_loop3A_403, %parallel_loop3A_419 : i32
        %parallel_loop3A_421 = arith.constant 3 : i32
        %parallel_loop3A_422 = arith.index_cast %parallel_loop3A_421 : i32 to index
        %parallel_loop3A_423 = arith.index_cast %parallel_loop3A_401 : i32 to index
        %parallel_loop3A_424 = arith.index_cast %parallel_loop3A_420 : i32 to index
        %parallel_loop3A_425 = tpu.vector_load %arg8[%parallel_loop3A_422, %parallel_loop3A_423, %parallel_loop3A_424] {strides = array<i32>} : memref<4x16x1024xf32, #tpu.memory_space<vmem>>, vector<1x1x16xf32>,
        %parallel_loop3A_426 = vector.shape_cast %parallel_loop3A_425 : vector<1x1x16xf32> to vector<16xf32>
        %parallel_loop3A_427 = vector.shape_cast %parallel_loop3A_415 : vector<16xf32> to vector<1x1x16xf32>
        tpu.vector_store %arg8[%parallel_loop3A_422, %parallel_loop3A_423, %parallel_loop3A_424], %parallel_loop3A_427 {add = true, strides = array<i32>} : memref<4x16x1024xf32, #tpu.memory_space<vmem>>, vector<1x1x16xf32>,
        %parallel_loop3A_428 = arith.constant 16 : i32
        %parallel_loop3A_429 = arith.muli %parallel_loop3A_403, %parallel_loop3A_428 : i32
        %parallel_loop3A_430 = arith.constant 512 : i32
        %parallel_loop3A_431 = arith.addi %parallel_loop3A_430, %parallel_loop3A_429 : i32
        %parallel_loop3A_432 = arith.constant 3 : i32
        %parallel_loop3A_433 = arith.index_cast %parallel_loop3A_432 : i32 to index
        %parallel_loop3A_434 = arith.index_cast %parallel_loop3A_401 : i32 to index
        %parallel_loop3A_435 = arith.index_cast %parallel_loop3A_431 : i32 to index
        %parallel_loop3A_436 = tpu.vector_load %arg8[%parallel_loop3A_433, %parallel_loop3A_434, %parallel_loop3A_435] {strides = array<i32>} : memref<4x16x1024xf32, #tpu.memory_space<vmem>>, vector<1x1x16xf32>,
        %parallel_loop3A_437 = vector.shape_cast %parallel_loop3A_436 : vector<1x1x16xf32> to vector<16xf32>
        %parallel_loop3A_438 = vector.shape_cast %parallel_loop3A_418 : vector<16xf32> to vector<1x1x16xf32>
        tpu.vector_store %arg8[%parallel_loop3A_433, %parallel_loop3A_434, %parallel_loop3A_435], %parallel_loop3A_438 {add = true, strides = array<i32>} : memref<4x16x1024xf32, #tpu.memory_space<vmem>>, vector<1x1x16xf32>,
      } {sc.loop_unroll_factor = 16 : i64, sc.parallel_access}
      %mul3A_372 = arith.constant 16 : i32
      %mul3A_373 = arith.muli %add3A_335, %mul3A_372 : i32
      %add3A_374 = arith.addi %mul3A_2, %mul3A_373 : i32
      %dma_start3A_375 = arith.constant 3 : i32
      %dma_start3A_376 = arith.constant 3 : i32
      %dma_start3A_377 = arith.constant 0 : i32
      %dma_start3A_378 = arith.constant 0 : i32
      %dma_start3A_379 = tpu.memref_slice %arg8[%dma_start3A_375, %dma_start3A_377, %dma_start3A_378] : memref<4x16x1024xf32, #tpu.memory_space<vmem>> -> memref<1x16x1024xf32, #tpu.memory_space<vmem>>
      %dma_start3A_380 = tpu.memref_squeeze %dma_start3A_379 : memref<1x16x1024xf32, #tpu.memory_space<vmem>> -> memref<16x1024xf32, #tpu.memory_space<vmem>>
      %dma_start3A_381 = arith.constant 0 : i32
      %dma_start3A_382 = tpu.memref_slice %arg5[%add3A_374, %dma_start3A_381] : memref<16384x1024xf32, #tpu.memory_space<hbm>> -> memref<16x1024xf32, #tpu.memory_space<hbm>>
      %dma_start3A_383 = tpu.memref_slice %arg11[%dma_start3A_376] : memref<4x!tpu.dma_semaphore, #tpu.memory_space<semaphore_mem>> -> memref<1x!tpu.dma_semaphore, #tpu.memory_space<semaphore_mem>>
      %dma_start3A_384 = tpu.memref_squeeze %dma_start3A_383 : memref<1x!tpu.dma_semaphore, #tpu.memory_space<semaphore_mem>> -> memref<!tpu.dma_semaphore, #tpu.memory_space<semaphore_mem>>
      %dma_start3A_385 = arith.constant 0 : i32
      %dma_start3A_386 = tpu.memref_slice %arg5[%add3A_374, %dma_start3A_385] : memref<16384x1024xf32, #tpu.memory_space<hbm>> -> memref<16x1024xf32, #tpu.memory_space<hbm>>
      %dma_start3A_387 = arith.constant 0 : i32
      %dma_start3A_388 = arith.constant 0 : i32
      %dma_start3A_389 = tpu.memref_slice %arg8[%dma_start3A_375, %dma_start3A_387, %dma_start3A_388] : memref<4x16x1024xf32, #tpu.memory_space<vmem>> -> memref<1x16x1024xf32, #tpu.memory_space<vmem>>
      %dma_start3A_390 = tpu.memref_squeeze %dma_start3A_389 : memref<1x16x1024xf32, #tpu.memory_space<vmem>> -> memref<16x1024xf32, #tpu.memory_space<vmem>>
      tpu.enqueue_dma source(%dma_start3A_390 : memref<16x1024xf32, #tpu.memory_space<vmem>>) target(%dma_start3A_386 : memref<16x1024xf32, #tpu.memory_space<hbm>>) target_semaphore(%dma_start3A_384 : memref<!tpu.dma_semaphore, #tpu.memory_space<semaphore_mem>>)
      %add3A_391 = arith.constant 2 : i32
      %add3A_392 = arith.addi %add3A_335, %add3A_391 : i32
      %lt3A_393 = arith.constant 32 : i32
      %lt3A_394 = arith.cmpi slt, %add3A_392, %lt3A_393 : i32
      %convert_element_type3A_395 = arith.extui %lt3A_394 : i1 to i32
      %cond3A_396 = arith.constant 0 : i32
      %cond3A_397 = arith.cmpi ne, %convert_element_type3A_395, %cond3A_396 : i32
      scf.if %cond3A_397 {
        %mul3A_399 = arith.constant 16 : i32
        %mul3A_400 = arith.muli %add3A_392, %mul3A_399 : i32
        %dma_start3A_401 = arith.constant 1 : i32
        %dma_start3A_402 = arith.constant 1 : i32
        %dma_start3A_403 = arith.constant 0 : i32
        %dma_start3A_404 = arith.constant 0 : i32
        %dma_start3A_405 = tpu.memref_slice %arg7[%dma_start3A_401, %dma_start3A_403, %dma_start3A_404] : memref<2x16x512xi32, #tpu.memory_space<vmem>> -> memref<1x16x512xi32, #tpu.memory_space<vmem>>
        %dma_start3A_406 = tpu.memref_squeeze %dma_start3A_405 : memref<1x16x512xi32, #tpu.memory_space<vmem>> -> memref<16x512xi32, #tpu.memory_space<vmem>>
        %dma_start3A_407 = tpu.memref_slice %arg6[%mul3A_400] : memref<512xi32, #tpu.memory_space<vmem>> -> memref<16xi32, #tpu.memory_space<vmem>>
        %dma_start3A_408 = arith.constant 0 : i32
        %dma_start3A_409 = arith.constant 0 : i32
        %dma_start3A_410 = tpu.memref_slice %arg3[%dma_start3A_408, %dma_start3A_409] : memref<1024x512xi32, #tpu.memory_space<hbm>> -> memref<1024x512xi32, #tpu.memory_space<hbm>>
        %dma_start3A_411 = tpu.memref_slice %arg9[%dma_start3A_402] : memref<2x!tpu.dma_semaphore, #tpu.memory_space<semaphore_mem>> -> memref<1x!tpu.dma_semaphore, #tpu.memory_space<semaphore_mem>>
        %dma_start3A_412 = tpu.memref_squeeze %dma_start3A_411 : memref<1x!tpu.dma_semaphore, #tpu.memory_space<semaphore_mem>> -> memref<!tpu.dma_semaphore, #tpu.memory_space<semaphore_mem>>
        tpu.enqueue_indirect_dma source(%dma_start3A_410 : memref<1024x512xi32, #tpu.memory_space<hbm>>) target(%dma_start3A_406 : memref<16x512xi32, #tpu.memory_space<vmem>>) offsets(%dma_start3A_407 : memref<16xi32, #tpu.memory_space<vmem>>) semaphore(%dma_start3A_412 : memref<!tpu.dma_semaphore, #tpu.memory_space<semaphore_mem>>)
        %ge3A = arith.constant 2 : i32
        %ge3A_413 = arith.cmpi sge, %add3A_335, %ge3A : i32
        %convert_element_type3A_414 = arith.extui %ge3A_413 : i1 to i32
        %cond3A_415 = arith.constant 0 : i32
        %cond3A_416 = arith.cmpi ne, %convert_element_type3A_414, %cond3A_415 : i32
        scf.if %cond3A_416 {
          %sub3A = arith.constant 2 : i32
          %sub3A_436 = arith.subi %add3A_335, %sub3A : i32
          %mul3A_437 = arith.constant 16 : i32
          %mul3A_438 = arith.muli %sub3A_436, %mul3A_437 : i32
          %add3A_439 = arith.addi %mul3A_2, %mul3A_438 : i32
          %dma_wait3A_440 = arith.constant 1 : i32
          %dma_wait3A_441 = arith.constant 1 : i32
          %dma_wait3A_442 = arith.constant 0 : i32
          %dma_wait3A_443 = arith.constant 0 : i32
          %dma_wait3A_444 = tpu.memref_slice %arg8[%dma_wait3A_440, %dma_wait3A_442, %dma_wait3A_443] : memref<4x16x1024xf32, #tpu.memory_space<vmem>> -> memref<1x16x1024xf32, #tpu.memory_space<vmem>>
          %dma_wait3A_445 = tpu.memref_squeeze %dma_wait3A_444 : memref<1x16x1024xf32, #tpu.memory_space<vmem>> -> memref<16x1024xf32, #tpu.memory_space<vmem>>
          %dma_wait3A_446 = arith.constant 0 : i32
          %dma_wait3A_447 = tpu.memref_slice %arg5[%add3A_439, %dma_wait3A_446] : memref<16384x1024xf32, #tpu.memory_space<hbm>> -> memref<16x1024xf32, #tpu.memory_space<hbm>>
          %dma_wait3A_448 = tpu.memref_slice %arg11[%dma_wait3A_441] : memref<4x!tpu.dma_semaphore, #tpu.memory_space<semaphore_mem>> -> memref<1x!tpu.dma_semaphore, #tpu.memory_space<semaphore_mem>>
          %dma_wait3A_449 = tpu.memref_squeeze %dma_wait3A_448 : memref<1x!tpu.dma_semaphore, #tpu.memory_space<semaphore_mem>> -> memref<!tpu.dma_semaphore, #tpu.memory_space<semaphore_mem>>
          %dma_wait3A_450 = arith.constant 0 : i32
          %dma_wait3A_451 = tpu.memref_slice %arg5[%add3A_439, %dma_wait3A_450] : memref<16384x1024xf32, #tpu.memory_space<hbm>> -> memref<16x1024xf32, #tpu.memory_space<hbm>>
          %dma_wait3A_452 = arith.constant 0 : i32
          %dma_wait3A_453 = arith.constant 0 : i32
          %dma_wait3A_454 = tpu.memref_slice %arg8[%dma_wait3A_440, %dma_wait3A_452, %dma_wait3A_453] : memref<4x16x1024xf32, #tpu.memory_space<vmem>> -> memref<1x16x1024xf32, #tpu.memory_space<vmem>>
          %dma_wait3A_455 = tpu.memref_squeeze %dma_wait3A_454 : memref<1x16x1024xf32, #tpu.memory_space<vmem>> -> memref<16x1024xf32, #tpu.memory_space<vmem>>
          tpu.wait_dma2 semaphore(%dma_wait3A_449 : memref<!tpu.dma_semaphore, #tpu.memory_space<semaphore_mem>>) src(%dma_wait3A_455 : memref<16x1024xf32, #tpu.memory_space<vmem>>) dst(%dma_wait3A_451 : memref<16x1024xf32, #tpu.memory_space<hbm>>)
        } else {
        }
        %mul3A_417 = arith.constant 16 : i32
        %mul3A_418 = arith.muli %add3A_392, %mul3A_417 : i32
        %add3A_419 = arith.addi %mul3A_2, %mul3A_418 : i32
        %dma_start3A_420 = arith.constant 1 : i32
        %dma_start3A_421 = arith.constant 1 : i32
        %dma_start3A_422 = arith.constant 0 : i32
        %dma_start3A_423 = arith.constant 0 : i32
        %dma_start3A_424 = tpu.memref_slice %arg8[%dma_start3A_420, %dma_start3A_422, %dma_start3A_423] : memref<4x16x1024xf32, #tpu.memory_space<vmem>> -> memref<1x16x1024xf32, #tpu.memory_space<vmem>>
        %dma_start3A_425 = tpu.memref_squeeze %dma_start3A_424 : memref<1x16x1024xf32, #tpu.memory_space<vmem>> -> memref<16x1024xf32, #tpu.memory_space<vmem>>
        %dma_start3A_426 = arith.constant 0 : i32
        %dma_start3A_427 = tpu.memref_slice %arg2[%add3A_419, %dma_start3A_426] : memref<16384x1024xf32, #tpu.memory_space<hbm>> -> memref<16x1024xf32, #tpu.memory_space<hbm>>
        %dma_start3A_428 = tpu.memref_slice %arg10[%dma_start3A_421] : memref<4x!tpu.dma_semaphore, #tpu.memory_space<semaphore_mem>> -> memref<1x!tpu.dma_semaphore, #tpu.memory_space<semaphore_mem>>
        %dma_start3A_429 = tpu.memref_squeeze %dma_start3A_428 : memref<1x!tpu.dma_semaphore, #tpu.memory_space<semaphore_mem>> -> memref<!tpu.dma_semaphore, #tpu.memory_space<semaphore_mem>>
        %dma_start3A_430 = arith.constant 0 : i32
        %dma_start3A_431 = arith.constant 0 : i32
        %dma_start3A_432 = tpu.memref_slice %arg8[%dma_start3A_420, %dma_start3A_430, %dma_start3A_431] : memref<4x16x1024xf32, #tpu.memory_space<vmem>> -> memref<1x16x1024xf32, #tpu.memory_space<vmem>>
        %dma_start3A_433 = tpu.memref_squeeze %dma_start3A_432 : memref<1x16x1024xf32, #tpu.memory_space<vmem>> -> memref<16x1024xf32, #tpu.memory_space<vmem>>
        %dma_start3A_434 = arith.constant 0 : i32
        %dma_start3A_435 = tpu.memref_slice %arg2[%add3A_419, %dma_start3A_434] : memref<16384x1024xf32, #tpu.memory_space<hbm>> -> memref<16x1024xf32, #tpu.memory_space<hbm>>
        tpu.enqueue_dma source(%dma_start3A_435 : memref<16x1024xf32, #tpu.memory_space<hbm>>) target(%dma_start3A_433 : memref<16x1024xf32, #tpu.memory_space<vmem>>) target_semaphore(%dma_start3A_429 : memref<!tpu.dma_semaphore, #tpu.memory_space<semaphore_mem>>)
      } else {
      }
      %scan3A_398 = arith.constant 0 : i32
      scf.yield %scan3A_398 : i32
    }
    %scan3A_70 = arith.constant 8 : i32
    %add3A_71 = arith.constant 448 : i32
    %add3A_72 = arith.addi %mul3A_2, %add3A_71 : i32
    %dma_wait3A = arith.constant 0 : i32
    %dma_wait3A_73 = arith.constant 0 : i32
    %dma_wait3A_74 = arith.constant 0 : i32
    %dma_wait3A_75 = arith.constant 0 : i32
    %dma_wait3A_76 = tpu.memref_slice %arg8[%dma_wait3A, %dma_wait3A_74, %dma_wait3A_75] : memref<4x16x1024xf32, #tpu.memory_space<vmem>> -> memref<1x16x1024xf32, #tpu.memory_space<vmem>>
    %dma_wait3A_77 = tpu.memref_squeeze %dma_wait3A_76 : memref<1x16x1024xf32, #tpu.memory_space<vmem>> -> memref<16x1024xf32, #tpu.memory_space<vmem>>
    %dma_wait3A_78 = arith.constant 0 : i32
    %dma_wait3A_79 = tpu.memref_slice %arg5[%add3A_72, %dma_wait3A_78] : memref<16384x1024xf32, #tpu.memory_space<hbm>> -> memref<16x1024xf32, #tpu.memory_space<hbm>>
    %dma_wait3A_80 = tpu.memref_slice %arg11[%dma_wait3A_73] : memref<4x!tpu.dma_semaphore, #tpu.memory_space<semaphore_mem>> -> memref<1x!tpu.dma_semaphore, #tpu.memory_space<semaphore_mem>>
    %dma_wait3A_81 = tpu.memref_squeeze %dma_wait3A_80 : memref<1x!tpu.dma_semaphore, #tpu.memory_space<semaphore_mem>> -> memref<!tpu.dma_semaphore, #tpu.memory_space<semaphore_mem>>
    %dma_wait3A_82 = arith.constant 0 : i32
    %dma_wait3A_83 = tpu.memref_slice %arg5[%add3A_72, %dma_wait3A_82] : memref<16384x1024xf32, #tpu.memory_space<hbm>> -> memref<16x1024xf32, #tpu.memory_space<hbm>>
    %dma_wait3A_84 = arith.constant 0 : i32
    %dma_wait3A_85 = arith.constant 0 : i32
    %dma_wait3A_86 = tpu.memref_slice %arg8[%dma_wait3A, %dma_wait3A_84, %dma_wait3A_85] : memref<4x16x1024xf32, #tpu.memory_space<vmem>> -> memref<1x16x1024xf32, #tpu.memory_space<vmem>>
    %dma_wait3A_87 = tpu.memref_squeeze %dma_wait3A_86 : memref<1x16x1024xf32, #tpu.memory_space<vmem>> -> memref<16x1024xf32, #tpu.memory_space<vmem>>
    tpu.wait_dma2 semaphore(%dma_wait3A_81 : memref<!tpu.dma_semaphore, #tpu.memory_space<semaphore_mem>>) src(%dma_wait3A_87 : memref<16x1024xf32, #tpu.memory_space<vmem>>) dst(%dma_wait3A_83 : memref<16x1024xf32, #tpu.memory_space<hbm>>)
    %add3A_88 = arith.constant 464 : i32
    %add3A_89 = arith.addi %mul3A_2, %add3A_88 : i32
    %dma_wait3A_90 = arith.constant 1 : i32
    %dma_wait3A_91 = arith.constant 1 : i32
    %dma_wait3A_92 = arith.constant 0 : i32
    %dma_wait3A_93 = arith.constant 0 : i32
    %dma_wait3A_94 = tpu.memref_slice %arg8[%dma_wait3A_90, %dma_wait3A_92, %dma_wait3A_93] : memref<4x16x1024xf32, #tpu.memory_space<vmem>> -> memref<1x16x1024xf32, #tpu.memory_space<vmem>>
    %dma_wait3A_95 = tpu.memref_squeeze %dma_wait3A_94 : memref<1x16x1024xf32, #tpu.memory_space<vmem>> -> memref<16x1024xf32, #tpu.memory_space<vmem>>
    %dma_wait3A_96 = arith.constant 0 : i32
    %dma_wait3A_97 = tpu.memref_slice %arg5[%add3A_89, %dma_wait3A_96] : memref<16384x1024xf32, #tpu.memory_space<hbm>> -> memref<16x1024xf32, #tpu.memory_space<hbm>>
    %dma_wait3A_98 = tpu.memref_slice %arg11[%dma_wait3A_91] : memref<4x!tpu.dma_semaphore, #tpu.memory_space<semaphore_mem>> -> memref<1x!tpu.dma_semaphore, #tpu.memory_space<semaphore_mem>>
    %dma_wait3A_99 = tpu.memref_squeeze %dma_wait3A_98 : memref<1x!tpu.dma_semaphore, #tpu.memory_space<semaphore_mem>> -> memref<!tpu.dma_semaphore, #tpu.memory_space<semaphore_mem>>
    %dma_wait3A_100 = arith.constant 0 : i32
    %dma_wait3A_101 = tpu.memref_slice %arg5[%add3A_89, %dma_wait3A_100] : memref<16384x1024xf32, #tpu.memory_space<hbm>> -> memref<16x1024xf32, #tpu.memory_space<hbm>>
    %dma_wait3A_102 = arith.constant 0 : i32
    %dma_wait3A_103 = arith.constant 0 : i32
    %dma_wait3A_104 = tpu.memref_slice %arg8[%dma_wait3A_90, %dma_wait3A_102, %dma_wait3A_103] : memref<4x16x1024xf32, #tpu.memory_space<vmem>> -> memref<1x16x1024xf32, #tpu.memory_space<vmem>>
    %dma_wait3A_105 = tpu.memref_squeeze %dma_wait3A_104 : memref<1x16x1024xf32, #tpu.memory_space<vmem>> -> memref<16x1024xf32, #tpu.memory_space<vmem>>
    tpu.wait_dma2 semaphore(%dma_wait3A_99 : memref<!tpu.dma_semaphore, #tpu.memory_space<semaphore_mem>>) src(%dma_wait3A_105 : memref<16x1024xf32, #tpu.memory_space<vmem>>) dst(%dma_wait3A_101 : memref<16x1024xf32, #tpu.memory_space<hbm>>)
    %add3A_106 = arith.constant 480 : i32
    %add3A_107 = arith.addi %mul3A_2, %add3A_106 : i32
    %dma_wait3A_108 = arith.constant 2 : i32
    %dma_wait3A_109 = arith.constant 2 : i32
    %dma_wait3A_110 = arith.constant 0 : i32
    %dma_wait3A_111 = arith.constant 0 : i32
    %dma_wait3A_112 = tpu.memref_slice %arg8[%dma_wait3A_108, %dma_wait3A_110, %dma_wait3A_111] : memref<4x16x1024xf32, #tpu.memory_space<vmem>> -> memref<1x16x1024xf32, #tpu.memory_space<vmem>>
    %dma_wait3A_113 = tpu.memref_squeeze %dma_wait3A_112 : memref<1x16x1024xf32, #tpu.memory_space<vmem>> -> memref<16x1024xf32, #tpu.memory_space<vmem>>
    %dma_wait3A_114 = arith.constant 0 : i32
    %dma_wait3A_115 = tpu.memref_slice %arg5[%add3A_107, %dma_wait3A_114] : memref<16384x1024xf32, #tpu.memory_space<hbm>> -> memref<16x1024xf32, #tpu.memory_space<hbm>>
    %dma_wait3A_116 = tpu.memref_slice %arg11[%dma_wait3A_109] : memref<4x!tpu.dma_semaphore, #tpu.memory_space<semaphore_mem>> -> memref<1x!tpu.dma_semaphore, #tpu.memory_space<semaphore_mem>>
    %dma_wait3A_117 = tpu.memref_squeeze %dma_wait3A_116 : memref<1x!tpu.dma_semaphore, #tpu.memory_space<semaphore_mem>> -> memref<!tpu.dma_semaphore, #tpu.memory_space<semaphore_mem>>
    %dma_wait3A_118 = arith.constant 0 : i32
    %dma_wait3A_119 = tpu.memref_slice %arg5[%add3A_107, %dma_wait3A_118] : memref<16384x1024xf32, #tpu.memory_space<hbm>> -> memref<16x1024xf32, #tpu.memory_space<hbm>>
    %dma_wait3A_120 = arith.constant 0 : i32
    %dma_wait3A_121 = arith.constant 0 : i32
    %dma_wait3A_122 = tpu.memref_slice %arg8[%dma_wait3A_108, %dma_wait3A_120, %dma_wait3A_121] : memref<4x16x1024xf32, #tpu.memory_space<vmem>> -> memref<1x16x1024xf32, #tpu.memory_space<vmem>>
    %dma_wait3A_123 = tpu.memref_squeeze %dma_wait3A_122 : memref<1x16x1024xf32, #tpu.memory_space<vmem>> -> memref<16x1024xf32, #tpu.memory_space<vmem>>
    tpu.wait_dma2 semaphore(%dma_wait3A_117 : memref<!tpu.dma_semaphore, #tpu.memory_space<semaphore_mem>>) src(%dma_wait3A_123 : memref<16x1024xf32, #tpu.memory_space<vmem>>) dst(%dma_wait3A_119 : memref<16x1024xf32, #tpu.memory_space<hbm>>)
    %add3A_124 = arith.constant 496 : i32
    %add3A_125 = arith.addi %mul3A_2, %add3A_124 : i32
    %dma_wait3A_126 = arith.constant 3 : i32
    %dma_wait3A_127 = arith.constant 3 : i32
    %dma_wait3A_128 = arith.constant 0 : i32
    %dma_wait3A_129 = arith.constant 0 : i32
    %dma_wait3A_130 = tpu.memref_slice %arg8[%dma_wait3A_126, %dma_wait3A_128, %dma_wait3A_129] : memref<4x16x1024xf32, #tpu.memory_space<vmem>> -> memref<1x16x1024xf32, #tpu.memory_space<vmem>>
    %dma_wait3A_131 = tpu.memref_squeeze %dma_wait3A_130 : memref<1x16x1024xf32, #tpu.memory_space<vmem>> -> memref<16x1024xf32, #tpu.memory_space<vmem>>
    %dma_wait3A_132 = arith.constant 0 : i32
    %dma_wait3A_133 = tpu.memref_slice %arg5[%add3A_125, %dma_wait3A_132] : memref<16384x1024xf32, #tpu.memory_space<hbm>> -> memref<16x1024xf32, #tpu.memory_space<hbm>>
    %dma_wait3A_134 = tpu.memref_slice %arg11[%dma_wait3A_127] : memref<4x!tpu.dma_semaphore, #tpu.memory_space<semaphore_mem>> -> memref<1x!tpu.dma_semaphore, #tpu.memory_space<semaphore_mem>>
    %dma_wait3A_135 = tpu.memref_squeeze %dma_wait3A_134 : memref<1x!tpu.dma_semaphore, #tpu.memory_space<semaphore_mem>> -> memref<!tpu.dma_semaphore, #tpu.memory_space<semaphore_mem>>
    %dma_wait3A_136 = arith.constant 0 : i32
    %dma_wait3A_137 = tpu.memref_slice %arg5[%add3A_125, %dma_wait3A_136] : memref<16384x1024xf32, #tpu.memory_space<hbm>> -> memref<16x1024xf32, #tpu.memory_space<hbm>>
    %dma_wait3A_138 = arith.constant 0 : i32
    %dma_wait3A_139 = arith.constant 0 : i32
    %dma_wait3A_140 = tpu.memref_slice %arg8[%dma_wait3A_126, %dma_wait3A_138, %dma_wait3A_139] : memref<4x16x1024xf32, #tpu.memory_space<vmem>> -> memref<1x16x1024xf32, #tpu.memory_space<vmem>>
    %dma_wait3A_141 = tpu.memref_squeeze %dma_wait3A_140 : memref<1x16x1024xf32, #tpu.memory_space<vmem>> -> memref<16x1024xf32, #tpu.memory_space<vmem>>
    tpu.wait_dma2 semaphore(%dma_wait3A_135 : memref<!tpu.dma_semaphore, #tpu.memory_space<semaphore_mem>>) src(%dma_wait3A_141 : memref<16x1024xf32, #tpu.memory_space<vmem>>) dst(%dma_wait3A_137 : memref<16x1024xf32, #tpu.memory_space<hbm>>)
    return
  }
}

module attributes {stable_mosaic.version = 14 : i64} {
  func.func @_index_body(%arg0: i32, %arg1: memref<2048x1024xf32, #tpu.memory_space<vmem>>, %arg2: memref<10x1024xf32, #tpu.memory_space<vmem>>, %arg3: memref<128x1024xf32, #tpu.memory_space<vmem>>, %arg4: memref<1x1x2048xi32, #tpu.memory_space<vmem>>, %arg5: memref<128x512xi32, #tpu.memory_space<vmem>>) attributes {dimension_semantics = [#tpu.dimension_semantics<arbitrary>], iteration_bounds = array<i64: 8>, scalar_prefetch = 0 : i64, scratch_operands = 0 : i64, tpu.core_type = #tpu.core_type<tc>, window_params = [{transform_indices = @transform_0, window_bounds = array<i64: 2048, 1024>}, {pipeline_mode = #tpu.pipeline_mode<synchronous>, transform_indices = @transform_1, window_bounds = array<i64: 10, 1024>}, {transform_indices = @transform_2, window_bounds = array<i64: 128, 1024>}, {transform_indices = @transform_3, window_bounds = array<i64: 1, 1, 2048>}, {transform_indices = @transform_4, window_bounds = array<i64: 128, 512>}]} {
    %get3A = arith.constant 0 : index
    %get3A_0 = arith.constant 0 : index
    %get3A_1 = vector.load %arg2[%get3A, %get3A_0] : memref<10x1024xf32, #tpu.memory_space<vmem>>, vector<10x1024xf32>
    %get3A_2 = arith.constant 0 : index
    %get3A_3 = arith.constant 0 : index
    %get3A_4 = vector.load %arg1[%get3A_2, %get3A_3] : memref<2048x1024xf32, #tpu.memory_space<vmem>>, vector<2048x1024xf32>
    %dot_general3A = arith.constant dense<0.000000e+00> : vector<10x2048xf32>
    %dot_general3A_5 = tpu.matmul %get3A_1, %get3A_4, %dot_general3A {dimension_numbers = #tpu.dot_dimension_numbers<[1], [1], [0], [0], [0, 0, 1, 0], [], []>, transpose_lhs_hint = false} : vector<10x1024xf32>, vector<2048x1024xf32>, vector<10x2048xf32> -> vector<10x2048xf32>
    %gt3A = arith.constant 0.000000e+00 : f32
    %gt3A_6 = vector.broadcast %gt3A : f32 to vector<10x2048xf32>
    %gt3A_7 = arith.cmpf ogt, %dot_general3A_5, %gt3A_6 : vector<10x2048xf32>
    %convert_element_type3A = arith.extui %gt3A_7 : vector<10x2048xi1> to vector<10x2048xi32>
    %convert_element_type3A_8 = arith.sitofp %convert_element_type3A : vector<10x2048xi32> to vector<10x2048xf32>
    %iota3A = tpu.iota {dimensions = array<i32: 0>} : vector<10x1xi32>
    %shift_left3A = arith.constant 1 : i32
    %shift_left3A_9 = vector.broadcast %shift_left3A : i32 to vector<10x1xi32>
    %shift_left3A_10 = arith.shli %shift_left3A_9, %iota3A : vector<10x1xi32>
    %convert_element_type3A_11 = arith.sitofp %shift_left3A_10 : vector<10x1xi32> to vector<10x1xf32>
    %mul3A = vector.broadcast %convert_element_type3A_11 : vector<10x1xf32> to vector<10x2048xf32>
    %mul3A_12 = arith.mulf %convert_element_type3A_8, %mul3A : vector<10x2048xf32>
    %reduce_sum3A = arith.constant dense<0.000000e+00> : vector<2048xf32>
    %reduce_sum3A_13 = vector.multi_reduction <add>, %mul3A_12, %reduce_sum3A [0] : vector<10x2048xf32> to vector<2048xf32>
    %broadcast_in_dim3A = vector.shape_cast %reduce_sum3A_13 : vector<2048xf32> to vector<1x2048xf32>
    %convert_element_type3A_14 = arith.fptosi %broadcast_in_dim3A : vector<1x2048xf32> to vector<1x2048xi32>
    %reshape3A = vector.shape_cast %convert_element_type3A_14 : vector<1x2048xi32> to vector<1x1x2048xi32>
    %swap3A = arith.constant 0 : index
    %swap3A_15 = arith.constant 0 : index
    %swap3A_16 = arith.constant 0 : index
    %swap3A_17 = vector.load %arg4[%swap3A, %swap3A_15, %swap3A_16] : memref<1x1x2048xi32, #tpu.memory_space<vmem>>, vector<1x1x2048xi32>
    tpu.vector_store %arg4[%swap3A, %swap3A_15, %swap3A_16], %reshape3A {strides = array<i32>} : memref<1x1x2048xi32, #tpu.memory_space<vmem>>, vector<1x1x2048xi32>,
    %get3A_18 = arith.constant 0 : index
    %get3A_19 = arith.constant 0 : index
    %get3A_20 = vector.load %arg3[%get3A_18, %get3A_19] : memref<128x1024xf32, #tpu.memory_space<vmem>>, vector<128x1024xf32>
    %mul3A_21 = arith.constant 1.000000e-01 : f32
    %mul3A_22 = vector.broadcast %mul3A_21 : f32 to vector<128x1024xf32>
    %mul3A_23 = arith.mulf %get3A_20, %mul3A_22 : vector<128x1024xf32>
    %bitcast_convert_type3A = tpu.bitcast %mul3A_23 : vector<128x1024xf32> -> vector<128x1024xi32>
    %add3A = arith.constant 32767 : i32
    %add3A_24 = vector.broadcast %add3A : i32 to vector<128x1024xi32>
    %add3A_25 = arith.addi %bitcast_convert_type3A, %add3A_24 : vector<128x1024xi32>
    %shift_right_arithmetic3A = arith.constant 16 : i32
    %shift_right_arithmetic3A_26 = vector.broadcast %shift_right_arithmetic3A : i32 to vector<128x1024xi32>
    %shift_right_arithmetic3A_27 = arith.shrsi %bitcast_convert_type3A, %shift_right_arithmetic3A_26 : vector<128x1024xi32>
    %and3A = arith.constant 1 : i32
    %and3A_28 = vector.broadcast %and3A : i32 to vector<128x1024xi32>
    %and3A_29 = arith.andi %shift_right_arithmetic3A_27, %and3A_28 : vector<128x1024xi32>
    %add3A_30 = arith.addi %add3A_25, %and3A_29 : vector<128x1024xi32>
    %and3A_31 = arith.constant -65536 : i32
    %and3A_32 = vector.broadcast %and3A_31 : i32 to vector<128x1024xi32>
    %and3A_33 = arith.andi %add3A_30, %and3A_32 : vector<128x1024xi32>
    %slice3A = vector.extract_strided_slice %and3A_33 {offsets = [0, 0], sizes = [128, 512], strides = [1, 1]} : vector<128x1024xi32> to vector<128x512xi32>
    %slice3A_34 = vector.extract_strided_slice %and3A_33 {offsets = [0, 512], sizes = [128, 512], strides = [1, 1]} : vector<128x1024xi32> to vector<128x512xi32>
    %shift_right_arithmetic3A_35 = arith.constant 16 : i32
    %shift_right_arithmetic3A_36 = vector.broadcast %shift_right_arithmetic3A_35 : i32 to vector<128x512xi32>
    %shift_right_arithmetic3A_37 = arith.shrsi %slice3A, %shift_right_arithmetic3A_36 : vector<128x512xi32>
    %and3A_38 = arith.constant 65535 : i32
    %and3A_39 = vector.broadcast %and3A_38 : i32 to vector<128x512xi32>
    %and3A_40 = arith.andi %shift_right_arithmetic3A_37, %and3A_39 : vector<128x512xi32>
    %or3A = arith.ori %and3A_40, %slice3A_34 : vector<128x512xi32>
    %swap3A_41 = arith.constant 0 : index
    %swap3A_42 = arith.constant 0 : index
    %swap3A_43 = vector.load %arg5[%swap3A_41, %swap3A_42] : memref<128x512xi32, #tpu.memory_space<vmem>>, vector<128x512xi32>
    tpu.vector_store %arg5[%swap3A_41, %swap3A_42], %or3A {strides = array<i32>} : memref<128x512xi32, #tpu.memory_space<vmem>>, vector<128x512xi32>,
    return
  }
  func.func @transform_0(%arg0: i32) -> (i32, i32) {
    %c0_i32 = arith.constant 0 : i32
    %c0_i32_0 = arith.constant 0 : i32
    return %arg0, %c0_i32 : i32, i32
  }
  func.func @transform_1(%arg0: i32) -> (i32, i32) {
    %c0_i32 = arith.constant 0 : i32
    %c0_i32_0 = arith.constant 0 : i32
    %c0_i32_1 = arith.constant 0 : i32
    return %c0_i32, %c0_i32_0 : i32, i32
  }
  func.func @transform_2(%arg0: i32) -> (i32, i32) {
    %c0_i32 = arith.constant 0 : i32
    %c0_i32_0 = arith.constant 0 : i32
    return %arg0, %c0_i32 : i32, i32
  }
  func.func @transform_3(%arg0: i32) -> (i32, i32, i32) {
    %c0_i32 = arith.constant 0 : i32
    %c0_i32_0 = arith.constant 0 : i32
    %c0_i32_1 = arith.constant 0 : i32
    return %arg0, %c0_i32, %c0_i32_0 : i32, i32, i32
  }
  func.func @transform_4(%arg0: i32) -> (i32, i32) {
    %c0_i32 = arith.constant 0 : i32
    %c0_i32_0 = arith.constant 0 : i32
    return %arg0, %c0_i32 : i32, i32
  }
}

</mosaic_0001>

<sc_bundles>
// kernel: kernel.4.cloned.1.call-start
scs
__scs_entry_jumppad:
0x0: {  	(pc) =	sbr.rel $0x88, $3  }
0x1: {  	(tag) =	ssettag $0x0;
	lr =	simm.s32 $0x1  }
0x2: {  	[smem:$0x3F9E] =	sst lr;
	_ =	strace $0xD0000000  }
0x3: {  	_ = 	snop  }
0x4: {  	_ = 	snop  }
0x5: {  	_ = 	snop  }
0x6: {  	_ = 	snop  }
0x7: {  	_ = 	snop  }
__scs_overlays_trampoline_lowered:
0x8: {  	[smem:$0x3FAD] =	sst s0  }
0x9: {  	[smem:$0x3FAE] =	sst s1  }
0xa: {  	[smem:$0x3FAF] =	sst s2  }
0xb: {  	[smem:$0x3FB0] =	sst s3  }
0xc: {  	[smem:$0x3FB1] =	sst s4  }
0xd: {  	[smem:$0x3FB2] =	sst s5  }
0xe: {  	[smem:$0x3FB3] =	sst s6  }
0xf: {  	[smem:$0x3FB4] =	sst s7  }
0x10: {  	[smem:$0x3FB5] =	sst s8  }
0x11: {  	[smem:$0x3FB6] =	sst s9;
	s0 =	simm.s32 @!p0 $0x0  }
0x12: {  	s1 =	sld [smem:$0x3F9C];
	s0 =	simm.s32 @p0 $0x1  }
0x13: {  	[smem:$0x3FB7] =	sst s0;
	s0 =	simm.s32 @!p1 $0x0  }
0x14: {  	s2 =	sld [smem:$0x3F9B];
	s0 =	simm.s32 @p1 $0x1  }
0x15: {  	[smem:$0x3FB8] =	sst s0;
	s0 =	simm.s32 @!p2 $0x0  }
0x16: {  	s3 =	sld [smem:$0x3FDB];
	s0 =	simm.s32 @p2 $0x1  }
0x17: {  	s4 =	simm.s32 $0x1BF5;
	[smem:$0x3FBA] =	sst s0  }
0x18: {  	s0 =	sld [smem:$0x3F9D];
	_ =	swait.ge [sflag:s4], $0x0  }
0x19: {  	s7 =	sld [smem:$0x3F9E]  }
0x1a: {  	s8 =	sadd.s32 $0xFFFFE003, lr  }
0x1b: {  	s9 =	sadd.s32 $0xFFFFFEF7, lr;
	s5 =	simm.s32 $0xFFFFFFFF;
	p2 =	slt.u32 s8, $0xFFFFF086  }
0x1c: {  	p1 =	slt.u32 s9, $0xF7A;
	s5 =	simm.s32 @!p2 $0x0  }
0x1d: {  	s5 =	simm.s32 @p1 $0x1;
	p0 =	seq.s32 s7, s2  }
0x1e: {  	s7 =	smul.u32 @!p0 $0xF7A, s2;
	p2 =	seq.s32 @!p0 s5, $0x0  }
0x1f: {  	s9 =	smul.u32 $0xF7A, s1;
	s8 =	simm.s32 @!p0 $0x1BF5;
	p2 =	por !p2, p0  }
0x20: {  	[sflag:s8] =	ssyncset.s32 @!p0 $0xFFFFF086;
	s6 =	sadd.s32 @!p0 s3, s7;
	s7 =	simm.s32 @!p0 $0x108  }
0x21: {  	s3 =	sadd.s32 s3, s9;
	s6 =	sadd.s32 @!p0 $0x88, s6;
	s7 =	simm.s32 @p2 $0x1082  }
0x22: {  	[simem:s7], [sflag:s8] =	dma.local @!p0 [hbm:s6], $0xF7A  }
0x23: {  	s9 =	sor.u32 $0xD0000000, s2;
	s6 =	simm.s32 $0x108;
	_ =	swait.ge @!p0 [sflag:s8], $0x0  }
0x24: {  	s3 =	sadd.s32 $0x88, s3;
	s6 =	simm.s32 @!p1 $0x1082;
	[sflag:s4] =	ssyncset.s32 $0xFFFFF086  }
0x25: {  	[simem:s6], [sflag:s4] =	dma.local [hbm:s3], $0xF7A  }
0x26: {  	[smem:$0x3F9E] =	sst s1;
	(tag) =	ssettag s2;
	_ =	strace s9  }
0x27: {  	s1 =	sld [smem:$0x3FAE]  }
0x28: {  	s2 =	sld [smem:$0x3FAF]  }
0x29: {  	s4 =	sld [smem:$0x3FB1]  }
0x2a: {  	p0 =	seq.s32 s5, $0x0;
	s5 =	sld [smem:$0x3FB2]  }
0x2b: {  	s6 =	sld [smem:$0x3FB3]  }
0x2c: {  	s7 =	sld [smem:$0x3FB4]  }
0x2d: {  	s3 =	simm.s32 $0x108;
	s8 =	sld [smem:$0x3FB5]  }
0x2e: {  	s3 =	simm.s32 @!p0 $0x1082;
	s9 =	sld [smem:$0x3FB6]  }
0x2f: {  	lr =	sadd.s32 s0, s3;
	s0 =	sld [smem:$0x3FAD]  }
0x30: {  	s3 =	sld [smem:$0x3FB0]  }
0x31: {  	[smem:$0x3FB9] =	sst s10  }
0x32: {  	s10 =	sld [smem:$0x3FB7];
	_ =	sdelay $0x3  }
0x33: {  	p0 =	seq.s32 s10, $0x1;
	s10 =	sld [smem:$0x3FB9];
	_ =	sdelay $0x3  }
0x34: {  	[smem:$0x3FB9] =	sst s10  }
0x35: {  	s10 =	sld [smem:$0x3FB8];
	_ =	sdelay $0x3  }
0x36: {  	p1 =	seq.s32 s10, $0x1;
	s10 =	sld [smem:$0x3FB9];
	_ =	sdelay $0x3  }
0x37: {  	[smem:$0x3FB9] =	sst s10  }
0x38: {  	s10 =	sld [smem:$0x3FBA]  }
0x39: {  	_ = 	snop;
	(pc) =	sbr.ind lr, $3  }
0x3a: {  	_ = 	snop  }
0x3b: {  	_ = 	snop  }
0x3c: {  	p2 =	seq.s32 s10, $0x1;
	s10 =	sld [smem:$0x3FB9]  }
0x3d: {  	_ =	shalt  }
0x3e: {  	_ =	shalt  }
0x3f: {  	_ =	shalt  }
0x40: {  	_ =	shalt  }
0x41: {  	_ =	shalt  }
0x42: {  	_ =	shalt  }
0x43: {  	_ =	shalt  }
0x44: {  	_ =	shalt  }
0x45: {  	_ =	shalt  }
0x46: {  	_ =	shalt  }
0x47: {  	_ =	shalt  }
0x48: {  	_ =	shalt  }
0x49: {  	_ =	shalt  }
0x4a: {  	_ =	shalt  }
0x4b: {  	_ =	shalt  }
0x4c: {  	_ =	shalt  }
0x4d: {  	_ =	shalt  }
0x4e: {  	_ =	shalt  }
0x4f: {  	_ =	shalt  }
0x50: {  	_ =	shalt  }
0x51: {  	_ =	shalt  }
0x52: {  	_ =	shalt  }
0x53: {  	_ =	shalt  }
0x54: {  	_ =	shalt  }
0x55: {  	_ =	shalt  }
0x56: {  	_ =	shalt  }
0x57: {  	_ =	shalt  }
0x58: {  	_ =	shalt  }
0x59: {  	_ =	shalt  }
0x5a: {  	_ =	shalt  }
0x5b: {  	_ =	shalt  }
0x5c: {  	_ =	shalt  }
0x5d: {  	_ =	shalt  }
0x5e: {  	_ =	shalt  }
0x5f: {  	_ =	shalt  }
0x60: {  	_ =	shalt  }
0x61: {  	_ =	shalt  }
0x62: {  	_ =	shalt  }
0x63: {  	_ =	shalt  }
0x64: {  	_ =	shalt  }
0x65: {  	_ =	shalt  }
0x66: {  	_ =	shalt  }
0x67: {  	_ =	shalt  }
0x68: {  	_ =	shalt  }
0x69: {  	_ =	shalt  }
0x6a: {  	_ =	shalt  }
0x6b: {  	_ =	shalt  }
0x6c: {  	_ =	shalt  }
0x6d: {  	_ =	shalt  }
0x6e: {  	_ =	shalt  }
0x6f: {  	_ =	shalt  }
0x70: {  	_ =	shalt  }
0x71: {  	_ =	shalt  }
0x72: {  	_ =	shalt  }
0x73: {  	_ =	shalt  }
0x74: {  	_ =	shalt  }
0x75: {  	_ =	shalt  }
0x76: {  	_ =	shalt  }
0x77: {  	_ =	shalt  }
0x78: {  	_ =	shalt  }
0x79: {  	_ =	shalt  }
0x7a: {  	_ =	shalt  }
0x7b: {  	_ =	shalt  }
0x7c: {  	_ =	shalt  }
0x7d: {  	_ =	shalt  }
0x7e: {  	_ =	shalt  }
0x7f: {  	_ =	shalt  }
0x80: {  	_ =	shalt  }
0x81: {  	_ =	shalt  }
0x82: {  	_ =	shalt  }
0x83: {  	_ =	shalt  }
0x84: {  	_ =	shalt  }
0x85: {  	_ =	shalt  }
0x86: {  	_ =	shalt  }
0x87: {  	_ =	shalt  }
.Lfunc_end0:
.L_simem_size_0:
called_computation_lowered:
.L_overlay_start_0:
0x88: {  	s2 =	sld [smem:$0x3FD9]  }
0x89: {  	s3 =	sld [smem:$0x3FFE];
	_ =	sdelay $0x1  }
0x8a: {  	s1 =	srdreg.scid  }
0x8b: {  	s0 =	sand.u32 $0x1, s1  }
0x8c: {  	s17 =	sshll.u32 s0, $0xA;
	s2 =	sadd.s32 s3, s2  }
0x8d: {  	s2 =	sadd.s32 s2, s17  }
0x8e: {  	[smem:$0x3FC5] =	sst s2  }
0x8f: {  	_ = 	snop  }
0x90: {  	s2 =	sld [smem:$0x3FC9]  }
0x91: {  	s18 =	sld [smem:$0x3FD0];
	(tm) =	ssettm $0x1  }
0x92: {  	s4 =	sld [smem:$0x3FFB];
	_ =	sdelay $0x3  }
0x93: {  	_ =	strace s4  }
0x94: {  	s4 =	sld [smem:$0x3FFC];
	_ =	sdelay $0x3  }
0x95: {  	_ =	strace s4  }
0x96: {  	s4 =	sld [smem:$0x3FFD];
	_ =	sdelay $0x3  }
0x97: {  	_ =	strace s4  }
0x98: {  	_ =	strace $0x8FFFFFFF  }
0x99: {  	s19 =	sld [smem:$0x3FDB];
	_ =	sdelay $0x1  }
0x9a: {  	s5 =	simm.s32 $_scs_section_size  }
0x9b: {  	s6 =	simm.s32 $_size__tile_overlayer_lowered;
	s7 =	simm.s32 $_tile_overlayer_lowered  }
0x9c: {  	s22 =	simm.s32 $0x1BFF;
	s21 =	sshll.u32 s7, $0x1;
	s4 =	sadd.s32 s5, s19  }
0x9d: {  	s8 =	simm.s32 $0x0;
	s20 =	sshll.u32 s6, $0x1;
	s6 =	sadd.s32 s21, s4  }
0x9e: {  	[timem:s8], [sflag:s22] =	dma.local [hbm:s6], s20  }
0x9f: {  	_ =	swait.ge [sflag:s22], s20  }
0xa0: {  	s5 =	ssub.s32 $0x0, s20;
	[sflag:s22] =	ssyncset.done $0x0  }
0xa1: {  	[sflag:s22] =	ssyncadd.s32 s5;
	_ =	sdelay $0x1  }
0xa2: {  	s23 =	simm.s32 $0x1B8B  }
0xa3: {  	_ =	swait.ge [sflag:s23], $0x1  }
0xa4: {  	[sflag:s23] =	ssyncset.done $0x0  }
0xa5: {  	s25 =	simm.s32 $0x1B8E;
	s24 =	sld [smem:$0x3FFE];
	[sflag:s23] =	ssyncadd.s32 $0xFFFFFFFF  }
0xa6: {  	s26 =	simm.s32 $execute0_lowered;
	[smem:$0x3FD2] =	sst s25  }
0xa7: {  	s6 =	sshll.u32 s26, $0x1;
	_ =	strace $0x80000046;
	[dreg:$0x1] =	wrdreg $0xFFFFFFFF  }
0xa8: {  	s28 =	simm.s32 $_size_execute0_lowered;
	s4 =	sadd.s32 s4, s6;
	[dreg:$0x0] =	wrdreg $0x0  }
0xa9: {  	s6 =	sshll.u32 s28, $0x1;
	[dreg:$0x2] =	wrdreg s4  }
0xaa: {  	[dreg:$0x3] =	wrdreg s6  }
0xab: {  	[dreg:$0x4] =	wrdreg $0xC0  }
0xac: {  	_ =	task [dreg:s8], $0x5FFFF  }
0xad: {  	[dreg:$0x1] =	wrdreg $0xFFFFFFFF  }
0xae: {  	[dreg:$0x0] =	wrdreg $0x60  }
0xaf: {  	[dreg:$0x2] =	wrdreg s2  }
0xb0: {  	[dreg:$0x3] =	wrdreg s24  }
0xb1: {  	[dreg:$0x4] =	wrdreg s18  }
0xb2: {  	[dreg:$0x5] =	wrdreg $0x9  }
0xb3: {  	_ =	task.clear_ibuf [dreg:s8], $0x6FFFF;
	_ =	strace $0x90000046  }
0xb4: {  	s29 =	simm.s32 $0x9;
	_ =	strace $0x80000048  }
0xb5: {  	_ =	swait.ge [sflag:s29], $0x1  }
0xb6: {  	[sflag:s29] =	ssyncadd.s32 $0xFFFFFFFF  }
0xb7: {  	_ =	strace $0x90000048  }
0xb8: {  	_ =	sfence  }
0xb9: {  	s30 =	sld [smem:$0x0];
	_ =	sdelay $0x2  }
0xba: {  	s31 =	sshll.u32 s1, $0xD;
	s1 =	sshrl.u32 s1, $0x2  }
0xbb: {  	s3 =	sand.u32 $0x4000, s31;
	s1 =	sadd.s32 s1, s30  }
0xbc: {  	s0 =	sor.u32 s3, s0;
	s1 =	sshll.u32 s1, $0x11  }
0xbd: {  	s0 =	sor.u32 s1, s0  }
0xbe: {  	s0 =	sadd.s32 $0x8F2B, s0  }
0xbf: {  	[sflag:s0] =	ssyncadd.remote.s32 $0x1  }
0xc0: {  	_ =	sfence.sel $0xFFFF  }
0xc1: {  	[dreg:$0x0] =	wrdreg $0xFFFFFFFF;
	(pc) =	sbr.abs _section_cstart, $3  }
0xc2: {  	[dreg:$0x1] =	wrdreg $0xFFFFFFFF  }
0xc3: {  	_ =	task.clear_ibuf [dreg:s8], $0x2FFFF;
	_ =	strace $0x9FFFFFFF  }
0xc4: {  	(tm) =	ssettm $0x7FFFFFFF  }
0xc5: {  	_ =	shalt  }
tec
execute0_lowered:
.L_overlay_start_1:
0x0: {  	(tag) =	ssettag $0x1  }
0x1: {  	s5 =	rddreg [dreg:$0x0]  }
0x2: {  	s0 =	rddreg [dreg:$0x1]  }
0x3: {  	s6 =	rddreg [dreg:$0x2]  }
0x4: {  	s4 =	simm.s32 $0x0;
	s1 =	srdreg.scid;
	s2 =	stileid.u32  }
0x5: {  	[smem:$0x7FF] =	sst s4;
	s1 =	sand.u32 $0x1, s1;
	s2 =	sshll.u32 s2, $0xA  }
0x6: {  	s7 =	sadd.s32 $0xE00, s0;
	s29 =	sadd.s32 $0x800, s6;
	_ =	strace $0x80000047  }
0x7: {  	s3 =	sshll.u32 s1, $0x9;
	[dreg:$0x4] =	wrdreg s7;
	s1 =	ssub.s32 $0x2, s1  }
0x8: {  	[dreg:$0xb] =	wrdreg s29;
	s24 =	sor.u32 s3, s2;
	s25 =	sshrl.u32 s1, $0x1  }
0x9: {  	s2 =	sshrl.u32 s24, $0x3;
	[dreg:$0x5] =	wrdreg s24;
	s7 =	sshll.u32 s24, $0x7  }
0xa: {  	s2 =	sadd.s32 s2, s0;
	s0 =	sadd.s32 $0xF00, s0;
	[dreg:$0x6] =	wrdreg s7  }
0xb: {  	s1 =	ssub.s32 s1, s25;
	s26 =	sadd.s32 s5, s7;
	[dreg:$0x9] =	wrdreg s0  }
.Ltmp0:
0xc: {  	s30 =	sadd.s32 s6, s7;
	[dreg:$0x7] =	wrdreg s26;
	(pc) =	sbr.rel .LBB2_1-.Ltmp0, $4  }
0xd: {  	s31 =	smax.u32 s1, $0x1;
	[dreg:$0xc] =	wrdreg s30  }
0xe: {  	v2 =	vlaneseq.u32;
	s2 =	sadd.s32 $0x10E00, s2;
	[dreg:$0xd] =	wrdreg s31  }
0xf: {  	vm0 =	vmmov $0xffff;
	v1 =	vshrl.u32 v2, $0x3;
	s28 =	sadd.s32 $0x800, s26;
	[dreg:$0x8] =	wrdreg s2  }
0x10: {  	v0 =	vand.u32 $0x7, v2;
	v2 =	vor.u32 $0x8, v2;
	v1 =	vmul.u32 $0x8, v1;
	[dreg:$0xa] =	wrdreg s28;
	s2 =	simm.s32 $0x0  }
.LBB2_12:
0x11: {  	s0 =	simm.s32 $0x7  }
0x12: {  	_ =	swait.ge [sflag:s0], $0x4000  }
0x13: {  	[sflag:s0] =	ssyncset.done $0x0  }
0x14: {  	s29 =	simm.s32 $0x8;
	[sflag:s0] =	ssyncadd.s32 $0xFFFFC000  }
0x15: {  	_ =	swait.ge [sflag:s29], $0x4000  }
0x16: {  	[sflag:s29] =	ssyncset.done $0x0  }
0x17: {  	s30 =	simm.s32 $0x9;
	[sflag:s29] =	ssyncadd.s32 $0xFFFFC000  }
0x18: {  	_ =	swait.ge [sflag:s30], $0x4000  }
0x19: {  	[sflag:s30] =	ssyncset.done $0x0  }
0x1a: {  	s1 =	simm.s32 $0xA;
	[sflag:s30] =	ssyncadd.s32 $0xFFFFC000  }
0x1b: {  	_ =	swait.ge [sflag:s1], $0x4000  }
0x1c: {  	s2 =	rddreg [dreg:$0xe]  }
0x1d: {  	s31 =	rddreg [dreg:$0xd];
	s2 =	sadd.s32 $0x1, s2  }
0x1e: {  	p0 =	sne.s32 s2, s31  }
.Ltmp1:
0x1f: {  	_ = 	snop;
	(pc) =	sbr.rel @!p0 .LBB2_13-.Ltmp1, $3  }
0x20: {  	_ =	sdelay $0x1  }
0x21: {  	[sflag:s1] =	ssyncset.done $0x0  }
0x22: {  	[sflag:s1] =	ssyncadd.s32 $0xFFFFC000  }
.LBB2_1:
0x23: {  	[dreg:$0xe] =	wrdreg s2  }
0x24: {  	s0 =	rddreg [dreg:$0x8];
	s18 =	simm.s32 $0xB  }
0x25: {  	[tilespmem:s4], [sflag:$0xB] =	stream.linear.gather [hbm4b:s0+s4], $0x200, $0x38;
	[tilespmem:$0x14200] =	vst v63  }
0x26: {  	_ =	swait.ge [sflag:s18], $0x200  }
0x27: {  	[sflag:s18] =	ssyncset.done $0x0  }
0x28: {  	[sflag:s18] =	ssyncadd.s32 $0xFFFFFE00  }
0x29: {  	v3 =	vld [tilespmem:$0x0];
	_ =	sdelay $0x4  }
0x2a: {  	v4 =	vshll.u32 v3, $0x2  }
0x2b: {  	v3 =	vand.u32 $0x7, v3;
	v4 =	vand.u32 $0xFFFFFFE0, v4  }
0x2c: {  	v3 =	vor.u32 v3, v4  }
0x2d: {  	v4 =	vperm.xlane v3, v0;
	_ =	sdelay $0x1  }
0x2e: {  	v4 =	vadd.s32 v1, v4;
	_ =	sdelay $0x1  }
0x2f: {  	v3 =	vperm.xlane v3, v2;
	_ =	sdelay $0x1  }
0x30: {  	s1 =	simm.s32 $0x200;
	s19 =	rddreg [dreg:$0x4];
	v3 =	vadd.s32 v1, v3  }
0x31: {  	[tilespmem:s1], [sflag:$0x1] =	stream.indirect_vreg.gather [hbm4b:s19+s4], $0x80, v4, vm0, $0xb8;
	[tilespmem:$0x14200] =	vst v63  }
0x32: {  	s21 =	simm.s32 $0xA00;
	s20 =	rddreg [dreg:$0x9]  }
0x33: {  	[tilespmem:s21], [sflag:$0x1] =	stream.indirect_vreg.gather [hbm4b:s20+s4], $0x80, v4, vm0, $0xb8;
	[tilespmem:$0x14200] =	vst v63  }
0x34: {  	s22 =	simm.s32 $0x1200  }
0x35: {  	[tilespmem:s22], [sflag:$0x1] =	stream.indirect_vreg.gather [hbm4b:s19+s4], $0x80, v3, vm0, $0xb8;
	[tilespmem:$0x14200] =	vst v63  }
0x36: {  	s23 =	simm.s32 $0x1A00  }
0x37: {  	[tilespmem:s23], [sflag:$0x1] =	stream.indirect_vreg.gather [hbm4b:s20+s4], $0x80, v3, vm0, $0xb8;
	[tilespmem:$0x14200] =	vst v63  }
0x38: {  	s3 =	simm.s32 $0x4200;
	s24 =	rddreg [dreg:$0x7]  }
0x39: {  	[tilespmem:s3], [sflag:$0x3] =	stream.linear.gather [hbm4b:s24+s4], $0x4000, $0x38;
	[tilespmem:$0x14200] =	vst v63  }
0x3a: {  	v3 =	vld [tilespmem:$0x10];
	_ =	sdelay $0x4  }
0x3b: {  	v63 =	vshll.u32 v3, $0x2  }
0x3c: {  	v3 =	vand.u32 $0x7, v3;
	v4 =	vand.u32 $0xFFFFFFE0, v63  }
0x3d: {  	v3 =	vor.u32 v3, v4  }
0x3e: {  	v4 =	vperm.xlane v3, v0;
	_ =	sdelay $0x1  }
0x3f: {  	v4 =	vadd.s32 v1, v4;
	_ =	sdelay $0x1  }
0x40: {  	v3 =	vperm.xlane v3, v2;
	_ =	sdelay $0x1  }
0x41: {  	s25 =	simm.s32 $0x2200;
	v3 =	vadd.s32 v1, v3  }
0x42: {  	[tilespmem:s25], [sflag:$0x2] =	stream.indirect_vreg.gather [hbm4b:s19+s4], $0x80, v4, vm0, $0xb8;
	[tilespmem:$0x14200] =	vst v63  }
0x43: {  	s26 =	simm.s32 $0x2A00  }
0x44: {  	[tilespmem:s26], [sflag:$0x2] =	stream.indirect_vreg.gather [hbm4b:s20+s4], $0x80, v4, vm0, $0xb8;
	[tilespmem:$0x14200] =	vst v63  }
0x45: {  	s28 =	simm.s32 $0x3200  }
0x46: {  	[tilespmem:s28], [sflag:$0x2] =	stream.indirect_vreg.gather [hbm4b:s19+s4], $0x80, v3, vm0, $0xb8;
	[tilespmem:$0x14200] =	vst v63  }
0x47: {  	s29 =	simm.s32 $0x3A00  }
0x48: {  	[tilespmem:s29], [sflag:$0x2] =	stream.indirect_vreg.gather [hbm4b:s20+s4], $0x80, v3, vm0, $0xb8;
	[tilespmem:$0x14200] =	vst v63  }
0x49: {  	s31 =	simm.s32 $0x8200;
	s8 =	simm.s32 $0x0;
	s30 =	rddreg [dreg:$0xa]  }
0x4a: {  	[tilespmem:s31], [sflag:$0x4] =	stream.linear.gather [hbm4b:s30+s4], $0x4000, $0x38;
	[tilespmem:$0x14200] =	vst v63  }
.LBB2_2:
0x4b: {  	s0 =	simm.s32 $0x1  }
0x4c: {  	s11 =	simm.s32 $0x0;
	s1 =	simm.s32 $0x0;
	_ =	swait.ge [sflag:s0], $0x2000  }
0x4d: {  	s7 =	simm.s32 $0x3;
	s2 =	simm.s32 $0x0;
	[sflag:s0] =	ssyncset.done $0x0  }
0x4e: {  	s1 =	sand.u32 $0x3FFFF000, s1;
	[sflag:s0] =	ssyncadd.s32 $0xFFFFE000;
	s0 =	sand.u32 $0x800, s11  }
0x4f: {  	s1 =	sor.u32 $0x200, s1;
	_ =	swait.ge [sflag:s7], $0x4000;
	s3 =	sor.u32 $0x400, s0  }
0x50: {  	s5 =	sand.u32 $0x380, s2;
	[sflag:s7] =	ssyncset.done $0x0;
	s6 =	sor.u32 s3, s1  }
0x51: {  	s1 =	sor.u32 s0, s1;
	[sflag:s7] =	ssyncadd.s32 $0xFFFFC000;
	s6 =	sadd.s32 s5, s6  }
0x52: {  	s1 =	sadd.s32 s5, s1;
	v3 =	vld [tilespmem:s6+$0x70]  }
0x53: {  	v4 =	vld [tilespmem:s1+$0x0]  }
0x54: {  	v5 =	vld [tilespmem:s1+$0x10]  }
0x55: {  	v6 =	vld [tilespmem:s1+$0x20]  }
0x56: {  	v7 =	vld [tilespmem:s1+$0x30]  }
0x57: {  	v8 =	vld [tilespmem:s1+$0x40]  }
0x58: {  	v10 =	vld [tilespmem:s1+$0x70]  }
0x59: {  	v11 =	vld [tilespmem:s6+$0x0]  }
0x5a: {  	s12 =	simm.s32 $0x0;
	v12 =	vld [tilespmem:s6+$0x10]  }
0x5b: {  	s7 =	sand.u32 $0x3FFFE000, s12;
	v13 =	vld [tilespmem:s6+$0x20]  }
0x5c: {  	s9 =	sadd.s32 $0x4200, s7;
	v14 =	vld [tilespmem:s6+$0x30]  }
0x5d: {  	v15 =	vld [tilespmem:s6+$0x40];
	s3 =	sor.u32 s3, s9  }
0x5e: {  	v16 =	vld [tilespmem:s6+$0x50];
	s13 =	sadd.s32 s5, s3  }
0x5f: {  	v18 =	vld [tilespmem:s6+$0x60];
	s3 =	sor.u32 $0x70, s13;
	v9 =	vshll.u32 v3, $0x10  }
0x60: {  	s0 =	sor.u32 s0, s9;
	[tilespmem:s3+$0x0] =	vst.add.f32.msk $0xffff, v9  }
0x61: {  	s11 =	sadd.s32 s5, s0;
	v17 =	vshll.u32 v4, $0x10;
	v9 =	vld [tilespmem:s1+$0x60]  }
0x62: {  	s14 =	sor.u32 $0x10, s11;
	v63 =	vshll.u32 v5, $0x10;
	[tilespmem:s11+$0x0] =	vst.add.f32.msk $0xffff, v17  }
0x63: {  	v3 =	vand.u32 $0xFFFF0000, v3;
	[tilespmem:s14+$0x0] =	vst.add.f32.msk $0xffff, v63  }
0x64: {  	[tilespmem:s11+$0x1470] =	vst.add.f32.msk $0xffff, v3  }
0x65: {  	s0 =	sor.u32 $0x1000, s11;
	v4 =	vand.u32 $0xFFFF0000, v4;
	v3 =	vld [tilespmem:s1+$0x50]  }
0x66: {  	s15 =	sor.u32 $0x1010, s11;
	[tilespmem:s0+$0x0] =	vst.add.f32.msk $0xffff, v4;
	v4 =	vand.u32 $0xFFFF0000, v5  }
0x67: {  	s16 =	sor.u32 $0x20, s11;
	v5 =	vshll.u32 v6, $0x10;
	[tilespmem:s15+$0x0] =	vst.add.f32.msk $0xffff, v4  }
0x68: {  	s17 =	sor.u32 $0x1020, s11;
	v4 =	vand.u32 $0xFFFF0000, v6;
	[tilespmem:s16+$0x0] =	vst.add.f32.msk $0xffff, v5  }
0x69: {  	s18 =	sor.u32 $0x30, s11;
	v5 =	vshll.u32 v7, $0x10;
	[tilespmem:s17+$0x0] =	vst.add.f32.msk $0xffff, v4  }
0x6a: {  	s19 =	sor.u32 $0x1030, s11;
	v4 =	vand.u32 $0xFFFF0000, v7;
	[tilespmem:s18+$0x0] =	vst.add.f32.msk $0xffff, v5  }
0x6b: {  	s20 =	sor.u32 $0x40, s11;
	v5 =	vshll.u32 v8, $0x10;
	[tilespmem:s19+$0x0] =	vst.add.f32.msk $0xffff, v4  }
0x6c: {  	s21 =	sor.u32 $0x1040, s11;
	v4 =	vand.u32 $0xFFFF0000, v8;
	[tilespmem:s20+$0x0] =	vst.add.f32.msk $0xffff, v5  }
0x6d: {  	s24 =	sor.u32 $0x60, s11;
	[tilespmem:s21+$0x0] =	vst.add.f32.msk $0xffff, v4;
	v4 =	vshll.u32 v9, $0x10  }
0x6e: {  	s22 =	sor.u32 $0x50, s11;
	v5 =	vshll.u32 v3, $0x10;
	[tilespmem:s24+$0x0] =	vst.add.f32.msk $0xffff, v4  }
0x6f: {  	s26 =	sor.u32 $0x70, s11;
	v4 =	vshll.u32 v10, $0x10;
	[tilespmem:s22+$0x0] =	vst.add.f32.msk $0xffff, v5  }
0x70: {  	s23 =	sor.u32 $0x1050, s11;
	v3 =	vand.u32 $0xFFFF0000, v3;
	[tilespmem:s26+$0x0] =	vst.add.f32.msk $0xffff, v4  }
0x71: {  	v4 =	vshll.u32 v11, $0x10;
	[tilespmem:s23+$0x0] =	vst.add.f32.msk $0xffff, v3  }
0x72: {  	s25 =	sor.u32 $0x1060, s11;
	v3 =	vand.u32 $0xFFFF0000, v9;
	[tilespmem:s13+$0x0] =	vst.add.f32.msk $0xffff, v4  }
0x73: {  	s29 =	sor.u32 $0x10, s13;
	v4 =	vshll.u32 v12, $0x10;
	[tilespmem:s25+$0x0] =	vst.add.f32.msk $0xffff, v3  }
0x74: {  	s28 =	sor.u32 $0x1070, s11;
	v3 =	vand.u32 $0xFFFF0000, v10;
	[tilespmem:s29+$0x0] =	vst.add.f32.msk $0xffff, v4  }
0x75: {  	s30 =	sor.u32 $0x20, s13;
	v4 =	vshll.u32 v13, $0x10;
	[tilespmem:s28+$0x0] =	vst.add.f32.msk $0xffff, v3  }
0x76: {  	v3 =	vand.u32 $0xFFFF0000, v11;
	[tilespmem:s30+$0x0] =	vst.add.f32.msk $0xffff, v4  }
0x77: {  	s31 =	sor.u32 $0x30, s13;
	v4 =	vshll.u32 v14, $0x10;
	[tilespmem:s11+$0x1400] =	vst.add.f32.msk $0xffff, v3  }
0x78: {  	v3 =	vand.u32 $0xFFFF0000, v12;
	[tilespmem:s31+$0x0] =	vst.add.f32.msk $0xffff, v4  }
0x79: {  	v6 =	vand.u32 $0xFFFF0000, v16;
	v9 =	vand.u32 $0xFFFF0000, v14;
	[tilespmem:s11+$0x1410] =	vst.add.f32.msk $0xffff, v3  }
0x7a: {  	s7 =	sor.u32 $0x60, s13;
	s15 =	simm.s32 $0x0;
	v7 =	vand.u32 $0xFFFF0000, v15;
	v8 =	vshll.u32 v15, $0x10;
	v3 =	vand.u32 $0xFFFF0000, v13;
	[tilespmem:s11+$0x1430] =	vst.add.f32.msk $0xffff, v9  }
0x7b: {  	s16 =	simm.s32 $0x0;
	s20 =	sor.u32 $0x50, s13;
	s21 =	sor.u32 $0x40, s13;
	v5 =	vshll.u32 v16, $0x10;
	v4 =	vshll.u32 v18, $0x10;
	[tilespmem:s11+$0x1420] =	vst.add.f32.msk $0xffff, v3;
	v3 =	vand.u32 $0xFFFF0000, v18  }
.LBB2_3:
0x7c: {  	s15 =	sadd.s32 $0x10, s15;
	[tilespmem:s21+$0x0] =	vst.add.f32.msk $0xffff, v8;
	s2 =	sadd.s32 $0x100, s2  }
0x7d: {  	s0 =	sshll.u32 s2, $0x3;
	s1 =	sshll.u32 s15, $0x4;
	p0 =	slt.u32 s15, $0x1F0;
	[tilespmem:s11+$0x1440] =	vst.add.f32.msk $0xffff, v7  }
0x7e: {  	s0 =	sand.u32 $0x800, s0;
	s1 =	sand.u32 $0x3FFFF000, s1;
	[tilespmem:s20+$0x0] =	vst.add.f32.msk $0xffff, v5  }
0x7f: {  	s16 =	sadd.s32 $0x40, s16;
	s1 =	sor.u32 $0x200, s1;
	s3 =	sor.u32 $0x400, s0;
	[tilespmem:s11+$0x1450] =	vst.add.f32.msk $0xffff, v6  }
0x80: {  	s5 =	sand.u32 $0x380, s16;
	s6 =	sor.u32 s0, s1;
	s1 =	sor.u32 s3, s1;
	[tilespmem:s7+$0x0] =	vst.add.f32.msk $0xffff, v4  }
0x81: {  	s7 =	sadd.s32 s5, s6;
	s22 =	sadd.s32 s5, s1;
	[tilespmem:s11+$0x1460] =	vst.add.f32.msk $0xffff, v3  }
0x82: {  	s1 =	sshll.u32 s15, $0x5;
	v3 =	vld [tilespmem:s22+$0x70]  }
0x83: {  	s1 =	sand.u32 $0x3FFFE000, s1;
	v4 =	vld [tilespmem:s7+$0x0]  }
0x84: {  	s1 =	sadd.s32 $0x4200, s1;
	v5 =	vld [tilespmem:s7+$0x10]  }
0x85: {  	s3 =	sor.u32 s3, s1;
	v6 =	vld [tilespmem:s7+$0x20]  }
0x86: {  	s17 =	sadd.s32 s5, s3;
	v7 =	vld [tilespmem:s7+$0x30]  }
0x87: {  	s0 =	sor.u32 s0, s1;
	s18 =	sor.u32 $0x10, s17;
	s1 =	sor.u32 $0x70, s17;
	v8 =	vld [tilespmem:s7+$0x40];
	v9 =	vshll.u32 v3, $0x10  }
0x88: {  	s11 =	sadd.s32 s5, s0;
	s12 =	sor.u32 $0x20, s17;
	s19 =	sor.u32 $0x30, s17;
	v3 =	vand.u32 $0xFFFF0000, v3;
	v10 =	vshll.u32 v4, $0x10;
	v4 =	vand.u32 $0xFFFF0000, v4;
	[tilespmem:s1+$0x0] =	vst.add.f32.msk $0xffff, v9  }
0x89: {  	s5 =	sor.u32 $0x1000, s11;
	s6 =	sor.u32 $0x10, s11;
	s3 =	sor.u32 $0x1010, s11;
	v9 =	vshll.u32 v5, $0x10;
	v5 =	vand.u32 $0xFFFF0000, v5;
	[tilespmem:s11+$0x1470] =	vst.add.f32.msk $0xffff, v3  }
0x8a: {  	s13 =	sor.u32 $0x20, s11;
	s24 =	sor.u32 $0x1020, s11;
	s23 =	sor.u32 $0x30, s11;
	v3 =	vshll.u32 v6, $0x10;
	v11 =	vand.u32 $0xFFFF0000, v6;
	v6 =	vld [tilespmem:s7+$0x50]  }
0x8b: {  	s9 =	sor.u32 $0x1030, s11;
	s0 =	sor.u32 $0x40, s11;
	s25 =	sor.u32 $0x1040, s11;
	v12 =	vshll.u32 v7, $0x10;
	v13 =	vand.u32 $0xFFFF0000, v7;
	v7 =	vld [tilespmem:s7+$0x60]  }
0x8c: {  	s26 =	sor.u32 $0x50, s11;
	s14 =	sor.u32 $0x1050, s11;
	s28 =	sor.u32 $0x60, s11;
	v14 =	vshll.u32 v8, $0x10;
	v15 =	vand.u32 $0xFFFF0000, v8;
	v8 =	vld [tilespmem:s7+$0x70]  }
0x8d: {  	s31 =	sor.u32 $0x70, s11;
	s29 =	sor.u32 $0x1070, s11;
	s1 =	sor.u32 $0x1060, s11;
	v16 =	vld [tilespmem:s22+$0x0]  }
0x8e: {  	s21 =	sor.u32 $0x40, s17;
	s20 =	sor.u32 $0x50, s17;
	s7 =	sor.u32 $0x60, s17;
	v17 =	vld [tilespmem:s22+$0x10]  }
0x8f: {  	v18 =	vshll.u32 v6, $0x10;
	v19 =	vand.u32 $0xFFFF0000, v6;
	v6 =	vld [tilespmem:s22+$0x20]  }
0x90: {  	v20 =	vshll.u32 v7, $0x10;
	v21 =	vand.u32 $0xFFFF0000, v7;
	v7 =	vld [tilespmem:s22+$0x30]  }
0x91: {  	v22 =	vshll.u32 v8, $0x10;
	v23 =	vand.u32 $0xFFFF0000, v8;
	v24 =	vld [tilespmem:s22+$0x40]  }
0x92: {  	v25 =	vshll.u32 v16, $0x10;
	v16 =	vand.u32 $0xFFFF0000, v16;
	v26 =	vld [tilespmem:s22+$0x50]  }
0x93: {  	v27 =	vshll.u32 v17, $0x10;
	v17 =	vand.u32 $0xFFFF0000, v17;
	v28 =	vld [tilespmem:s22+$0x60]  }
0x94: {  	[tilespmem:s11+$0x0] =	vst.add.f32.msk $0xffff, v10;
	v10 =	vshll.u32 v6, $0x10;
	v29 =	vand.u32 $0xFFFF0000, v6  }
0x95: {  	[tilespmem:s5+$0x0] =	vst.add.f32.msk $0xffff, v4;
	v30 =	vshll.u32 v7, $0x10;
	v31 =	vand.u32 $0xFFFF0000, v7  }
0x96: {  	[tilespmem:s6+$0x0] =	vst.add.f32.msk $0xffff, v9;
	v8 =	vshll.u32 v24, $0x10;
	v7 =	vand.u32 $0xFFFF0000, v24  }
0x97: {  	[tilespmem:s3+$0x0] =	vst.add.f32.msk $0xffff, v5;
	v5 =	vshll.u32 v26, $0x10;
	v6 =	vand.u32 $0xFFFF0000, v26  }
0x98: {  	[tilespmem:s13+$0x0] =	vst.add.f32.msk $0xffff, v3;
	v4 =	vshll.u32 v28, $0x10;
	v3 =	vand.u32 $0xFFFF0000, v28  }
0x99: {  	[tilespmem:s24+$0x0] =	vst.add.f32.msk $0xffff, v11  }
0x9a: {  	[tilespmem:s23+$0x0] =	vst.add.f32.msk $0xffff, v12  }
0x9b: {  	[tilespmem:s9+$0x0] =	vst.add.f32.msk $0xffff, v13  }
0x9c: {  	[tilespmem:s0+$0x0] =	vst.add.f32.msk $0xffff, v14  }
0x9d: {  	[tilespmem:s25+$0x0] =	vst.add.f32.msk $0xffff, v15  }
0x9e: {  	[tilespmem:s26+$0x0] =	vst.add.f32.msk $0xffff, v18  }
0x9f: {  	[tilespmem:s14+$0x0] =	vst.add.f32.msk $0xffff, v19  }
0xa0: {  	[tilespmem:s28+$0x0] =	vst.add.f32.msk $0xffff, v20  }
0xa1: {  	[tilespmem:s1+$0x0] =	vst.add.f32.msk $0xffff, v21  }
0xa2: {  	[tilespmem:s31+$0x0] =	vst.add.f32.msk $0xffff, v22  }
0xa3: {  	[tilespmem:s29+$0x0] =	vst.add.f32.msk $0xffff, v23  }
0xa4: {  	[tilespmem:s17+$0x0] =	vst.add.f32.msk $0xffff, v25  }
0xa5: {  	[tilespmem:s11+$0x1400] =	vst.add.f32.msk $0xffff, v16  }
0xa6: {  	[tilespmem:s18+$0x0] =	vst.add.f32.msk $0xffff, v27  }
.Ltmp2:
0xa7: {  	[tilespmem:s11+$0x1410] =	vst.add.f32.msk $0xffff, v17;
	(pc) =	sbr.rel @p0 .LBB2_3-.Ltmp2, $4  }
0xa8: {  	[tilespmem:s12+$0x0] =	vst.add.f32.msk $0xffff, v10  }
0xa9: {  	[tilespmem:s11+$0x1420] =	vst.add.f32.msk $0xffff, v29  }
0xaa: {  	[tilespmem:s19+$0x0] =	vst.add.f32.msk $0xffff, v30  }
0xab: {  	[tilespmem:s11+$0x1430] =	vst.add.f32.msk $0xffff, v31  }
0xac: {  	[tilespmem:s21+$0x0] =	vst.add.f32.msk $0xffff, v8  }
0xad: {  	[tilespmem:s20+$0x0] =	vst.add.f32.msk $0xffff, v5  }
0xae: {  	[tilespmem:s7+$0x0] =	vst.add.f32.msk $0xffff, v4  }
0xaf: {  	[tilespmem:s11+$0x1440] =	vst.add.f32.msk $0xffff, v7  }
0xb0: {  	[tilespmem:s11+$0x1450] =	vst.add.f32.msk $0xffff, v6  }
0xb1: {  	s0 =	sshll.u32 s8, $0xD;
	s1 =	rddreg [dreg:$0x6]  }
0xb2: {  	s15 =	sshll.u32 s8, $0x2;
	[tilespmem:s11+$0x1460] =	vst.add.f32.msk $0xffff, v3;
	s11 =	rddreg [dreg:$0x2];
	s2 =	sadd.s32 s1, s0  }
0xb3: {  	s12 =	simm.s32 $0x4200;
	s13 =	sor.u32 $0x2, s15;
	s0 =	sadd.s32 s11, s2  }
0xb4: {  	[hbm4b:s0+s4] =	stream.linear.scatter [tilespmem:s12], [sflag:$0x7], $0x4000, $0x38;
	[tilespmem:$0x14200] =	vst v63  }
0xb5: {  	s0 =	sshll.u32 s13, $0x4  }
0xb6: {  	v3 =	vld [tilespmem:s0+$0x0];
	_ =	sdelay $0x4  }
0xb7: {  	v4 =	vshll.u32 v3, $0x2  }
0xb8: {  	v3 =	vand.u32 $0x7, v3;
	v4 =	vand.u32 $0xFFFFFFE0, v4  }
0xb9: {  	v3 =	vor.u32 v3, v4  }
0xba: {  	v4 =	vperm.xlane v3, v0;
	_ =	sdelay $0x1  }
0xbb: {  	v4 =	vadd.s32 v1, v4;
	_ =	sdelay $0x1  }
0xbc: {  	v3 =	vperm.xlane v3, v2;
	_ =	sdelay $0x1  }
0xbd: {  	s3 =	simm.s32 $0x200;
	s14 =	rddreg [dreg:$0x4];
	v3 =	vadd.s32 v1, v3  }
0xbe: {  	[tilespmem:s3], [sflag:$0x1] =	stream.indirect_vreg.gather [hbm4b:s14+s4], $0x80, v4, vm0, $0xb8;
	[tilespmem:$0x14200] =	vst v63  }
0xbf: {  	s5 =	simm.s32 $0xA00;
	s16 =	rddreg [dreg:$0x9]  }
0xc0: {  	[tilespmem:s5], [sflag:$0x1] =	stream.indirect_vreg.gather [hbm4b:s16+s4], $0x80, v4, vm0, $0xb8;
	[tilespmem:$0x14200] =	vst v63  }
0xc1: {  	s17 =	simm.s32 $0x1200;
	p0 =	seq.s32 s8, $0x0  }
0xc2: {  	[tilespmem:s17], [sflag:$0x1] =	stream.indirect_vreg.gather [hbm4b:s14+s4], $0x80, v3, vm0, $0xb8;
	[tilespmem:$0x14200] =	vst v63  }
0xc3: {  	s18 =	simm.s32 $0x1A00;
	[dreg:$0xf] =	wrdreg s13;
	s1 =	simm.s32 @!p0 $0x9  }
0xc4: {  	[tilespmem:s18], [sflag:$0x1] =	stream.indirect_vreg.gather [hbm4b:s16+s4], $0x80, v3, vm0, $0xb8;
	[tilespmem:$0x14200] =	vst v63  }
0xc5: {  	_ =	swait.ge @!p0 [sflag:s1], $0x4000  }
0xc6: {  	s19 =	rddreg [dreg:$0x5];
	[sflag:s1] =	ssyncset.done @!p0 $0x0  }
0xc7: {  	s0 =	sadd.s32 s19, s0;
	[sflag:s1] =	ssyncadd.s32 @!p0 $0xFFFFC000  }
0xc8: {  	s20 =	simm.s32 $0xC200;
	s0 =	sshll.u32 s0, $0x7;
	s1 =	rddreg [dreg:$0x0]  }
0xc9: {  	s21 =	simm.s32 $0x2;
	s16 =	simm.s32 $0x0;
	s0 =	sadd.s32 s1, s0  }
0xca: {  	[tilespmem:s20], [sflag:$0x5] =	stream.linear.gather [hbm4b:s0+s16], $0x4000, $0x38;
	[tilespmem:$0x14200] =	vst v63  }
0xcb: {  	s22 =	simm.s32 $0x0;
	s23 =	simm.s32 $0x0;
	_ =	swait.ge [sflag:s21], $0x2000  }
0xcc: {  	s9 =	simm.s32 $0x4;
	s6 =	sand.u32 $0x380, s16;
	[sflag:s21] =	ssyncset.done $0x0  }
0xcd: {  	s1 =	sand.u32 $0x3FFFF000, s23;
	s0 =	sand.u32 $0x800, s22;
	[sflag:s21] =	ssyncadd.s32 $0xFFFFE000  }
0xce: {  	s24 =	sor.u32 $0x200, s1;
	s25 =	sor.u32 $0x400, s0;
	_ =	swait.ge [sflag:s9], $0x4000  }
0xcf: {  	s1 =	sadd.s32 $0x2200, s1;
	s26 =	sor.u32 s25, s24;
	[sflag:s9] =	ssyncset.done $0x0  }
0xd0: {  	s31 =	sor.u32 s0, s1;
	s28 =	sadd.s32 s6, s26;
	[sflag:s9] =	ssyncadd.s32 $0xFFFFC000  }
0xd1: {  	s3 =	sor.u32 s0, s24;
	s13 =	sadd.s32 s6, s31;
	v3 =	vld [tilespmem:s28+$0x2070]  }
0xd2: {  	s3 =	sadd.s32 s6, s3;
	v4 =	vld [tilespmem:s13+$0x0]  }
0xd3: {  	s29 =	simm.s32 $0x0;
	v6 =	vld [tilespmem:s3+$0x2020]  }
0xd4: {  	s7 =	sand.u32 $0x3FFFE000, s29;
	v7 =	vld [tilespmem:s3+$0x2030]  }
0xd5: {  	s30 =	sadd.s32 $0x8200, s7;
	v8 =	vld [tilespmem:s3+$0x2040]  }
0xd6: {  	s0 =	sor.u32 s0, s30;
	s5 =	sor.u32 s25, s1;
	v9 =	vld [tilespmem:s3+$0x2060]  }
0xd7: {  	s17 =	sadd.s32 s6, s0;
	s0 =	sadd.s32 s6, s5;
	v10 =	vld [tilespmem:s3+$0x2070]  }
0xd8: {  	v11 =	vld [tilespmem:s0+$0x0]  }
0xd9: {  	v12 =	vld [tilespmem:s28+$0x2010]  }
0xda: {  	v13 =	vld [tilespmem:s28+$0x2020]  }
0xdb: {  	s12 =	sor.u32 s25, s30;
	v14 =	vld [tilespmem:s28+$0x2030]  }
0xdc: {  	s7 =	sadd.s32 s6, s12;
	v15 =	vld [tilespmem:s28+$0x2040]  }
0xdd: {  	s12 =	sor.u32 $0x70, s7;
	v16 =	vld [tilespmem:s28+$0x2050];
	v5 =	vshll.u32 v3, $0x10  }
0xde: {  	[tilespmem:s12+$0x0] =	vst.add.f32.msk $0xffff, v5  }
0xdf: {  	v5 =	vld [tilespmem:s3+$0x2010]  }
0xe0: {  	v18 =	vld [tilespmem:s28+$0x2060];
	v17 =	vshll.u32 v4, $0x10  }
0xe1: {  	v3 =	vand.u32 $0xFFFF0000, v3;
	[tilespmem:s17+$0x0] =	vst.add.f32.msk $0xffff, v17  }
0xe2: {  	[tilespmem:s17+$0x1470] =	vst.add.f32.msk $0xffff, v3  }
0xe3: {  	s10 =	sor.u32 $0x1000, s17;
	v4 =	vand.u32 $0xFFFF0000, v4;
	v3 =	vld [tilespmem:s3+$0x2050]  }
0xe4: {  	s11 =	sor.u32 $0x10, s17;
	[tilespmem:s10+$0x0] =	vst.add.f32.msk $0xffff, v4;
	v63 =	vshll.u32 v5, $0x10  }
0xe5: {  	s13 =	sor.u32 $0x20, s17;
	v4 =	vand.u32 $0xFFFF0000, v5;
	v5 =	vshll.u32 v6, $0x10;
	[tilespmem:s11+$0x0] =	vst.add.f32.msk $0xffff, v63  }
0xe6: {  	s12 =	sor.u32 $0x1010, s17;
	[tilespmem:s13+$0x0] =	vst.add.f32.msk $0xffff, v5  }
0xe7: {  	s18 =	sor.u32 $0x30, s17;
	v5 =	vshll.u32 v7, $0x10;
	[tilespmem:s12+$0x0] =	vst.add.f32.msk $0xffff, v4  }
0xe8: {  	s14 =	sor.u32 $0x1020, s17;
	v4 =	vand.u32 $0xFFFF0000, v6;
	[tilespmem:s18+$0x0] =	vst.add.f32.msk $0xffff, v5  }
0xe9: {  	s20 =	sor.u32 $0x40, s17;
	v5 =	vshll.u32 v8, $0x10;
	[tilespmem:s14+$0x0] =	vst.add.f32.msk $0xffff, v4  }
0xea: {  	s19 =	sor.u32 $0x1030, s17;
	v4 =	vand.u32 $0xFFFF0000, v7;
	[tilespmem:s20+$0x0] =	vst.add.f32.msk $0xffff, v5  }
0xeb: {  	s22 =	sor.u32 $0x50, s17;
	v5 =	vshll.u32 v3, $0x10;
	[tilespmem:s19+$0x0] =	vst.add.f32.msk $0xffff, v4  }
0xec: {  	s21 =	sor.u32 $0x1040, s17;
	v4 =	vand.u32 $0xFFFF0000, v8;
	[tilespmem:s22+$0x0] =	vst.add.f32.msk $0xffff, v5  }
0xed: {  	s23 =	sor.u32 $0x1050, s17;
	v3 =	vand.u32 $0xFFFF0000, v3;
	[tilespmem:s21+$0x0] =	vst.add.f32.msk $0xffff, v4  }
0xee: {  	s24 =	sor.u32 $0x60, s17;
	v4 =	vshll.u32 v9, $0x10;
	[tilespmem:s23+$0x0] =	vst.add.f32.msk $0xffff, v3  }
0xef: {  	s25 =	sor.u32 $0x1060, s17;
	v3 =	vand.u32 $0xFFFF0000, v9;
	[tilespmem:s24+$0x0] =	vst.add.f32.msk $0xffff, v4  }
0xf0: {  	s26 =	sor.u32 $0x70, s17;
	v4 =	vshll.u32 v10, $0x10;
	[tilespmem:s25+$0x0] =	vst.add.f32.msk $0xffff, v3  }
0xf1: {  	s28 =	sor.u32 $0x1070, s17;
	v3 =	vand.u32 $0xFFFF0000, v10;
	[tilespmem:s26+$0x0] =	vst.add.f32.msk $0xffff, v4  }
0xf2: {  	v4 =	vshll.u32 v11, $0x10;
	[tilespmem:s28+$0x0] =	vst.add.f32.msk $0xffff, v3  }
0xf3: {  	v3 =	vand.u32 $0xFFFF0000, v11;
	[tilespmem:s7+$0x0] =	vst.add.f32.msk $0xffff, v4  }
0xf4: {  	s29 =	sor.u32 $0x10, s7;
	v4 =	vshll.u32 v12, $0x10;
	[tilespmem:s17+$0x1400] =	vst.add.f32.msk $0xffff, v3  }
0xf5: {  	v3 =	vand.u32 $0xFFFF0000, v12;
	[tilespmem:s29+$0x0] =	vst.add.f32.msk $0xffff, v4  }
0xf6: {  	s30 =	sor.u32 $0x20, s7;
	v4 =	vshll.u32 v13, $0x10;
	[tilespmem:s17+$0x1410] =	vst.add.f32.msk $0xffff, v3  }
0xf7: {  	v3 =	vand.u32 $0xFFFF0000, v13;
	[tilespmem:s30+$0x0] =	vst.add.f32.msk $0xffff, v4  }
0xf8: {  	s31 =	sor.u32 $0x30, s7;
	v6 =	vand.u32 $0xFFFF0000, v16;
	v4 =	vshll.u32 v14, $0x10;
	[tilespmem:s17+$0x1420] =	vst.add.f32.msk $0xffff, v3  }
0xf9: {  	s18 =	simm.s32 $0x0;
	v7 =	vand.u32 $0xFFFF0000, v15;
	v8 =	vshll.u32 v15, $0x10;
	s19 =	simm.s32 $0x0;
	v9 =	vand.u32 $0xFFFF0000, v14;
	[tilespmem:s31+$0x0] =	vst.add.f32.msk $0xffff, v4  }
0xfa: {  	v5 =	vshll.u32 v16, $0x10;
	s23 =	sor.u32 $0x50, s7;
	s21 =	sor.u32 $0x60, s7;
	s24 =	sor.u32 $0x40, s7;
	v4 =	vshll.u32 v18, $0x10;
	v3 =	vand.u32 $0xFFFF0000, v18;
	[tilespmem:s17+$0x1430] =	vst.add.f32.msk $0xffff, v9  }
.LBB2_5:
0xfb: {  	s18 =	sadd.s32 $0x10, s18;
	[tilespmem:s24+$0x0] =	vst.add.f32.msk $0xffff, v8;
	s16 =	sadd.s32 $0x100, s16  }
0xfc: {  	s0 =	sshll.u32 s16, $0x3;
	s1 =	sshll.u32 s18, $0x4;
	p1 =	slt.u32 s18, $0x1F0;
	[tilespmem:s17+$0x1440] =	vst.add.f32.msk $0xffff, v7  }
0xfd: {  	s0 =	sand.u32 $0x800, s0;
	s1 =	sand.u32 $0x3FFFF000, s1;
	[tilespmem:s23+$0x0] =	vst.add.f32.msk $0xffff, v5  }
0xfe: {  	s19 =	sadd.s32 $0x40, s19;
	s3 =	sor.u32 $0x200, s1;
	s5 =	sor.u32 $0x400, s0;
	[tilespmem:s17+$0x1450] =	vst.add.f32.msk $0xffff, v6  }
0xff: {  	s6 =	sand.u32 $0x380, s19;
	s1 =	sadd.s32 $0x2200, s1;
	s7 =	sor.u32 s5, s3;
	[tilespmem:s21+$0x0] =	vst.add.f32.msk $0xffff, v4  }
0x100: {  	s9 =	sor.u32 s0, s1;
	s3 =	sor.u32 s0, s3;
	s25 =	sadd.s32 s6, s7;
	[tilespmem:s17+$0x1460] =	vst.add.f32.msk $0xffff, v3  }
0x101: {  	s1 =	sor.u32 s5, s1;
	s7 =	sadd.s32 s6, s9;
	s9 =	sshll.u32 s18, $0x5;
	v3 =	vld [tilespmem:s25+$0x2070]  }
0x102: {  	s14 =	sadd.s32 s6, s3;
	s21 =	sadd.s32 s6, s1;
	v4 =	vld [tilespmem:s7+$0x0];
	s7 =	sand.u32 $0x3FFFE000, s9  }
0x103: {  	s1 =	sadd.s32 $0x8200, s7;
	v5 =	vld [tilespmem:s14+$0x2010]  }
0x104: {  	v6 =	vld [tilespmem:s14+$0x2020];
	s3 =	sor.u32 s5, s1  }
0x105: {  	v7 =	vld [tilespmem:s14+$0x2030];
	s20 =	sadd.s32 s6, s3  }
0x106: {  	s0 =	sor.u32 s0, s1;
	v8 =	vld [tilespmem:s14+$0x2040];
	s7 =	sor.u32 $0x10, s20;
	v9 =	vshll.u32 v3, $0x10;
	s1 =	sor.u32 $0x70, s20  }
0x107: {  	s17 =	sadd.s32 s6, s0;
	s22 =	sor.u32 $0x20, s20;
	s12 =	sor.u32 $0x30, s20;
	v3 =	vand.u32 $0xFFFF0000, v3;
	v10 =	vshll.u32 v4, $0x10;
	v4 =	vand.u32 $0xFFFF0000, v4;
	[tilespmem:s1+$0x0] =	vst.add.f32.msk $0xffff, v9  }
0x108: {  	s10 =	sor.u32 $0x1000, s17;
	s5 =	sor.u32 $0x10, s17;
	s1 =	sor.u32 $0x1010, s17;
	v9 =	vshll.u32 v5, $0x10;
	v5 =	vand.u32 $0xFFFF0000, v5;
	[tilespmem:s17+$0x1470] =	vst.add.f32.msk $0xffff, v3  }
0x109: {  	s6 =	sor.u32 $0x20, s17;
	s0 =	sor.u32 $0x1020, s17;
	s29 =	sor.u32 $0x30, s17;
	v3 =	vshll.u32 v6, $0x10;
	v11 =	vand.u32 $0xFFFF0000, v6;
	v6 =	vld [tilespmem:s14+$0x2050]  }
0x10a: {  	s13 =	sor.u32 $0x1030, s17;
	s3 =	sor.u32 $0x40, s17;
	s28 =	sor.u32 $0x1040, s17;
	v12 =	vshll.u32 v7, $0x10;
	v13 =	vand.u32 $0xFFFF0000, v7;
	v7 =	vld [tilespmem:s14+$0x2060]  }
0x10b: {  	s11 =	sor.u32 $0x50, s17;
	s26 =	sor.u32 $0x1050, s17;
	s9 =	sor.u32 $0x60, s17;
	v14 =	vshll.u32 v8, $0x10;
	v15 =	vand.u32 $0xFFFF0000, v8;
	v8 =	vld [tilespmem:s14+$0x2070]  }
0x10c: {  	s30 =	sor.u32 $0x1060, s17;
	s31 =	sor.u32 $0x1070, s17;
	s14 =	sor.u32 $0x70, s17;
	v16 =	vld [tilespmem:s21+$0x0]  }
0x10d: {  	s24 =	sor.u32 $0x40, s20;
	s23 =	sor.u32 $0x50, s20;
	s21 =	sor.u32 $0x60, s20;
	v17 =	vld [tilespmem:s25+$0x2010]  }
0x10e: {  	v18 =	vshll.u32 v6, $0x10;
	v19 =	vand.u32 $0xFFFF0000, v6;
	v6 =	vld [tilespmem:s25+$0x2020]  }
0x10f: {  	v20 =	vshll.u32 v7, $0x10;
	v21 =	vand.u32 $0xFFFF0000, v7;
	v7 =	vld [tilespmem:s25+$0x2030]  }
0x110: {  	v22 =	vshll.u32 v8, $0x10;
	v23 =	vand.u32 $0xFFFF0000, v8;
	v24 =	vld [tilespmem:s25+$0x2040]  }
0x111: {  	v25 =	vshll.u32 v16, $0x10;
	v16 =	vand.u32 $0xFFFF0000, v16;
	v26 =	vld [tilespmem:s25+$0x2050]  }
0x112: {  	v27 =	vshll.u32 v17, $0x10;
	v17 =	vand.u32 $0xFFFF0000, v17;
	v28 =	vld [tilespmem:s25+$0x2060]  }
0x113: {  	[tilespmem:s17+$0x0] =	vst.add.f32.msk $0xffff, v10;
	v10 =	vshll.u32 v6, $0x10;
	v29 =	vand.u32 $0xFFFF0000, v6  }
0x114: {  	[tilespmem:s10+$0x0] =	vst.add.f32.msk $0xffff, v4;
	v30 =	vshll.u32 v7, $0x10;
	v31 =	vand.u32 $0xFFFF0000, v7  }
0x115: {  	[tilespmem:s5+$0x0] =	vst.add.f32.msk $0xffff, v9;
	v8 =	vshll.u32 v24, $0x10;
	v7 =	vand.u32 $0xFFFF0000, v24  }
0x116: {  	[tilespmem:s1+$0x0] =	vst.add.f32.msk $0xffff, v5;
	v5 =	vshll.u32 v26, $0x10;
	v6 =	vand.u32 $0xFFFF0000, v26  }
0x117: {  	[tilespmem:s6+$0x0] =	vst.add.f32.msk $0xffff, v3;
	v4 =	vshll.u32 v28, $0x10;
	v3 =	vand.u32 $0xFFFF0000, v28  }
0x118: {  	[tilespmem:s0+$0x0] =	vst.add.f32.msk $0xffff, v11  }
0x119: {  	[tilespmem:s29+$0x0] =	vst.add.f32.msk $0xffff, v12  }
0x11a: {  	[tilespmem:s13+$0x0] =	vst.add.f32.msk $0xffff, v13  }
0x11b: {  	[tilespmem:s3+$0x0] =	vst.add.f32.msk $0xffff, v14  }
0x11c: {  	[tilespmem:s28+$0x0] =	vst.add.f32.msk $0xffff, v15  }
0x11d: {  	[tilespmem:s11+$0x0] =	vst.add.f32.msk $0xffff, v18  }
0x11e: {  	[tilespmem:s26+$0x0] =	vst.add.f32.msk $0xffff, v19  }
0x11f: {  	[tilespmem:s9+$0x0] =	vst.add.f32.msk $0xffff, v20  }
0x120: {  	[tilespmem:s30+$0x0] =	vst.add.f32.msk $0xffff, v21  }
0x121: {  	[tilespmem:s14+$0x0] =	vst.add.f32.msk $0xffff, v22  }
0x122: {  	[tilespmem:s31+$0x0] =	vst.add.f32.msk $0xffff, v23  }
0x123: {  	[tilespmem:s20+$0x0] =	vst.add.f32.msk $0xffff, v25  }
0x124: {  	[tilespmem:s17+$0x1400] =	vst.add.f32.msk $0xffff, v16  }
0x125: {  	[tilespmem:s7+$0x0] =	vst.add.f32.msk $0xffff, v27  }
.Ltmp3:
0x126: {  	[tilespmem:s17+$0x1410] =	vst.add.f32.msk $0xffff, v17;
	(pc) =	sbr.rel @p1 .LBB2_5-.Ltmp3, $4  }
0x127: {  	[tilespmem:s22+$0x0] =	vst.add.f32.msk $0xffff, v10  }
0x128: {  	[tilespmem:s17+$0x1420] =	vst.add.f32.msk $0xffff, v29  }
0x129: {  	[tilespmem:s12+$0x0] =	vst.add.f32.msk $0xffff, v30  }
0x12a: {  	[tilespmem:s17+$0x1430] =	vst.add.f32.msk $0xffff, v31  }
0x12b: {  	[tilespmem:s24+$0x0] =	vst.add.f32.msk $0xffff, v8  }
0x12c: {  	[tilespmem:s23+$0x0] =	vst.add.f32.msk $0xffff, v5  }
0x12d: {  	[tilespmem:s21+$0x0] =	vst.add.f32.msk $0xffff, v4  }
0x12e: {  	[tilespmem:s17+$0x1440] =	vst.add.f32.msk $0xffff, v7  }
0x12f: {  	[tilespmem:s17+$0x1450] =	vst.add.f32.msk $0xffff, v6  }
0x130: {  	[tilespmem:s17+$0x1460] =	vst.add.f32.msk $0xffff, v3  }
0x131: {  	s15 =	sor.u32 $0x3, s15;
	s0 =	rddreg [dreg:$0xb]  }
0x132: {  	s1 =	simm.s32 $0x8200;
	s19 =	sshll.u32 s15, $0x4;
	s0 =	sadd.s32 s2, s0  }
0x133: {  	[hbm4b:s0+s4] =	stream.linear.scatter [tilespmem:s1], [sflag:$0x8], $0x4000, $0x38;
	[tilespmem:$0x14200] =	vst v63  }
0x134: {  	v3 =	vld [tilespmem:s19+$0x0];
	_ =	sdelay $0x4  }
0x135: {  	v4 =	vshll.u32 v3, $0x2  }
0x136: {  	v3 =	vand.u32 $0x7, v3;
	v4 =	vand.u32 $0xFFFFFFE0, v4  }
0x137: {  	v3 =	vor.u32 v3, v4  }
0x138: {  	v4 =	vperm.xlane v3, v0;
	_ =	sdelay $0x1  }
0x139: {  	v4 =	vadd.s32 v1, v4;
	_ =	sdelay $0x1  }
0x13a: {  	v3 =	vperm.xlane v3, v2;
	_ =	sdelay $0x1  }
0x13b: {  	s21 =	simm.s32 $0x2200;
	s20 =	rddreg [dreg:$0x4];
	v3 =	vadd.s32 v1, v3  }
0x13c: {  	[tilespmem:s21], [sflag:$0x2] =	stream.indirect_vreg.gather [hbm4b:s20+s4], $0x80, v4, vm0, $0xb8;
	[tilespmem:$0x14200] =	vst v63  }
0x13d: {  	s3 =	simm.s32 $0x2A00;
	s22 =	rddreg [dreg:$0x9]  }
0x13e: {  	[tilespmem:s3], [sflag:$0x2] =	stream.indirect_vreg.gather [hbm4b:s22+s4], $0x80, v4, vm0, $0xb8;
	[tilespmem:$0x14200] =	vst v63  }
0x13f: {  	s23 =	simm.s32 $0x3200  }
0x140: {  	[tilespmem:s23], [sflag:$0x2] =	stream.indirect_vreg.gather [hbm4b:s20+s4], $0x80, v3, vm0, $0xb8;
	[tilespmem:$0x14200] =	vst v63  }
0x141: {  	s24 =	simm.s32 $0x3A00;
	s1 =	simm.s32 @!p0 $0xA  }
0x142: {  	[tilespmem:s24], [sflag:$0x2] =	stream.indirect_vreg.gather [hbm4b:s22+s4], $0x80, v3, vm0, $0xb8;
	[tilespmem:$0x14200] =	vst v63  }
0x143: {  	_ =	swait.ge @!p0 [sflag:s1], $0x4000  }
0x144: {  	s25 =	rddreg [dreg:$0x5];
	[sflag:s1] =	ssyncset.done @!p0 $0x0  }
0x145: {  	s0 =	sadd.s32 s25, s19;
	[sflag:s1] =	ssyncadd.s32 @!p0 $0xFFFFC000  }
0x146: {  	s26 =	simm.s32 $0x10200;
	s0 =	sshll.u32 s0, $0x7;
	s1 =	rddreg [dreg:$0x0]  }
0x147: {  	s28 =	simm.s32 $0x1;
	s2 =	simm.s32 $0x0;
	s0 =	sadd.s32 s1, s0  }
0x148: {  	[tilespmem:s26], [sflag:$0x6] =	stream.linear.gather [hbm4b:s0+s2], $0x4000, $0x38;
	[tilespmem:$0x14200] =	vst v63  }
0x149: {  	s29 =	simm.s32 $0x0;
	_ =	swait.ge [sflag:s28], $0x2000  }
0x14a: {  	s30 =	simm.s32 $0x0;
	s7 =	simm.s32 $0x5;
	[sflag:s28] =	ssyncset.done $0x0  }
0x14b: {  	s1 =	sand.u32 $0x3FFFF000, s30;
	s0 =	sand.u32 $0x800, s29;
	[sflag:s28] =	ssyncadd.s32 $0xFFFFE000  }
0x14c: {  	s1 =	sor.u32 $0x200, s1;
	s31 =	sor.u32 $0x400, s0;
	_ =	swait.ge [sflag:s7], $0x4000  }
0x14d: {  	s5 =	sand.u32 $0x380, s2;
	s6 =	sor.u32 s31, s1;
	[sflag:s7] =	ssyncset.done $0x0  }
0x14e: {  	s1 =	sor.u32 s0, s1;
	s6 =	sadd.s32 s5, s6;
	[sflag:s7] =	ssyncadd.s32 $0xFFFFC000  }
0x14f: {  	s1 =	sadd.s32 s5, s1;
	v3 =	vld [tilespmem:s6+$0x70]  }
0x150: {  	v4 =	vld [tilespmem:s1+$0x0]  }
0x151: {  	v5 =	vld [tilespmem:s1+$0x10]  }
0x152: {  	v6 =	vld [tilespmem:s1+$0x20]  }
0x153: {  	v7 =	vld [tilespmem:s1+$0x30]  }
0x154: {  	v8 =	vld [tilespmem:s1+$0x40]  }
0x155: {  	v10 =	vld [tilespmem:s1+$0x70]  }
0x156: {  	v11 =	vld [tilespmem:s6+$0x0]  }
0x157: {  	s10 =	simm.s32 $0x0;
	v12 =	vld [tilespmem:s6+$0x10]  }
0x158: {  	s7 =	sand.u32 $0x3FFFE000, s10;
	v13 =	vld [tilespmem:s6+$0x20]  }
0x159: {  	s9 =	sadd.s32 $0xC200, s7;
	v14 =	vld [tilespmem:s6+$0x30]  }
0x15a: {  	v15 =	vld [tilespmem:s6+$0x40];
	s3 =	sor.u32 s31, s9  }
0x15b: {  	v16 =	vld [tilespmem:s6+$0x50];
	s11 =	sadd.s32 s5, s3  }
0x15c: {  	v18 =	vld [tilespmem:s6+$0x60];
	s3 =	sor.u32 $0x70, s11;
	v9 =	vshll.u32 v3, $0x10  }
0x15d: {  	s0 =	sor.u32 s0, s9;
	[tilespmem:s3+$0x0] =	vst.add.f32.msk $0xffff, v9  }
0x15e: {  	s16 =	sadd.s32 s5, s0;
	v17 =	vshll.u32 v4, $0x10;
	v9 =	vld [tilespmem:s1+$0x60]  }
0x15f: {  	s12 =	sor.u32 $0x10, s16;
	v63 =	vshll.u32 v5, $0x10;
	[tilespmem:s16+$0x0] =	vst.add.f32.msk $0xffff, v17  }
0x160: {  	v3 =	vand.u32 $0xFFFF0000, v3;
	[tilespmem:s12+$0x0] =	vst.add.f32.msk $0xffff, v63  }
0x161: {  	[tilespmem:s16+$0x1470] =	vst.add.f32.msk $0xffff, v3  }
0x162: {  	s0 =	sor.u32 $0x1000, s16;
	v4 =	vand.u32 $0xFFFF0000, v4;
	v3 =	vld [tilespmem:s1+$0x50]  }
0x163: {  	s13 =	sor.u32 $0x1010, s16;
	[tilespmem:s0+$0x0] =	vst.add.f32.msk $0xffff, v4;
	v4 =	vand.u32 $0xFFFF0000, v5  }
0x164: {  	s14 =	sor.u32 $0x20, s16;
	v5 =	vshll.u32 v6, $0x10;
	[tilespmem:s13+$0x0] =	vst.add.f32.msk $0xffff, v4  }
0x165: {  	s17 =	sor.u32 $0x1020, s16;
	v4 =	vand.u32 $0xFFFF0000, v6;
	[tilespmem:s14+$0x0] =	vst.add.f32.msk $0xffff, v5  }
0x166: {  	s18 =	sor.u32 $0x30, s16;
	v5 =	vshll.u32 v7, $0x10;
	[tilespmem:s17+$0x0] =	vst.add.f32.msk $0xffff, v4  }
0x167: {  	s19 =	sor.u32 $0x1030, s16;
	v4 =	vand.u32 $0xFFFF0000, v7;
	[tilespmem:s18+$0x0] =	vst.add.f32.msk $0xffff, v5  }
0x168: {  	s20 =	sor.u32 $0x40, s16;
	v5 =	vshll.u32 v8, $0x10;
	[tilespmem:s19+$0x0] =	vst.add.f32.msk $0xffff, v4  }
0x169: {  	s21 =	sor.u32 $0x1040, s16;
	v4 =	vand.u32 $0xFFFF0000, v8;
	[tilespmem:s20+$0x0] =	vst.add.f32.msk $0xffff, v5  }
0x16a: {  	s24 =	sor.u32 $0x60, s16;
	[tilespmem:s21+$0x0] =	vst.add.f32.msk $0xffff, v4;
	v4 =	vshll.u32 v9, $0x10  }
0x16b: {  	s22 =	sor.u32 $0x50, s16;
	v5 =	vshll.u32 v3, $0x10;
	[tilespmem:s24+$0x0] =	vst.add.f32.msk $0xffff, v4  }
0x16c: {  	s26 =	sor.u32 $0x70, s16;
	v4 =	vshll.u32 v10, $0x10;
	[tilespmem:s22+$0x0] =	vst.add.f32.msk $0xffff, v5  }
0x16d: {  	s23 =	sor.u32 $0x1050, s16;
	v3 =	vand.u32 $0xFFFF0000, v3;
	[tilespmem:s26+$0x0] =	vst.add.f32.msk $0xffff, v4  }
0x16e: {  	v4 =	vshll.u32 v11, $0x10;
	[tilespmem:s23+$0x0] =	vst.add.f32.msk $0xffff, v3  }
0x16f: {  	s25 =	sor.u32 $0x1060, s16;
	v3 =	vand.u32 $0xFFFF0000, v9;
	[tilespmem:s11+$0x0] =	vst.add.f32.msk $0xffff, v4  }
0x170: {  	s29 =	sor.u32 $0x10, s11;
	v4 =	vshll.u32 v12, $0x10;
	[tilespmem:s25+$0x0] =	vst.add.f32.msk $0xffff, v3  }
0x171: {  	s28 =	sor.u32 $0x1070, s16;
	v3 =	vand.u32 $0xFFFF0000, v10;
	[tilespmem:s29+$0x0] =	vst.add.f32.msk $0xffff, v4  }
0x172: {  	s30 =	sor.u32 $0x20, s11;
	v4 =	vshll.u32 v13, $0x10;
	[tilespmem:s28+$0x0] =	vst.add.f32.msk $0xffff, v3  }
0x173: {  	v3 =	vand.u32 $0xFFFF0000, v11;
	[tilespmem:s30+$0x0] =	vst.add.f32.msk $0xffff, v4  }
0x174: {  	s31 =	sor.u32 $0x30, s11;
	v4 =	vshll.u32 v14, $0x10;
	[tilespmem:s16+$0x1400] =	vst.add.f32.msk $0xffff, v3  }
0x175: {  	v3 =	vand.u32 $0xFFFF0000, v12;
	[tilespmem:s31+$0x0] =	vst.add.f32.msk $0xffff, v4  }
0x176: {  	v6 =	vand.u32 $0xFFFF0000, v16;
	v9 =	vand.u32 $0xFFFF0000, v14;
	[tilespmem:s16+$0x1410] =	vst.add.f32.msk $0xffff, v3  }
0x177: {  	s17 =	simm.s32 $0x0;
	v7 =	vand.u32 $0xFFFF0000, v15;
	s18 =	simm.s32 $0x0;
	v8 =	vshll.u32 v15, $0x10;
	v3 =	vand.u32 $0xFFFF0000, v13;
	[tilespmem:s16+$0x1430] =	vst.add.f32.msk $0xffff, v9  }
0x178: {  	s20 =	sor.u32 $0x60, s11;
	v5 =	vshll.u32 v16, $0x10;
	s22 =	sor.u32 $0x50, s11;
	s23 =	sor.u32 $0x40, s11;
	v4 =	vshll.u32 v18, $0x10;
	[tilespmem:s16+$0x1420] =	vst.add.f32.msk $0xffff, v3;
	v3 =	vand.u32 $0xFFFF0000, v18  }
.LBB2_7:
0x179: {  	s17 =	sadd.s32 $0x10, s17;
	[tilespmem:s23+$0x0] =	vst.add.f32.msk $0xffff, v8;
	s2 =	sadd.s32 $0x100, s2  }
0x17a: {  	s0 =	sshll.u32 s2, $0x3;
	s1 =	sshll.u32 s17, $0x4;
	p0 =	slt.u32 s17, $0x1F0;
	[tilespmem:s16+$0x1440] =	vst.add.f32.msk $0xffff, v7  }
0x17b: {  	s0 =	sand.u32 $0x800, s0;
	s1 =	sand.u32 $0x3FFFF000, s1;
	[tilespmem:s22+$0x0] =	vst.add.f32.msk $0xffff, v5  }
0x17c: {  	s18 =	sadd.s32 $0x40, s18;
	s1 =	sor.u32 $0x200, s1;
	s3 =	sor.u32 $0x400, s0;
	[tilespmem:s16+$0x1450] =	vst.add.f32.msk $0xffff, v6  }
0x17d: {  	s5 =	sand.u32 $0x380, s18;
	s6 =	sor.u32 s0, s1;
	s1 =	sor.u32 s3, s1;
	[tilespmem:s20+$0x0] =	vst.add.f32.msk $0xffff, v4  }
0x17e: {  	s10 =	sadd.s32 s5, s6;
	s24 =	sadd.s32 s5, s1;
	[tilespmem:s16+$0x1460] =	vst.add.f32.msk $0xffff, v3  }
0x17f: {  	s1 =	sshll.u32 s17, $0x5;
	v3 =	vld [tilespmem:s24+$0x70]  }
0x180: {  	s1 =	sand.u32 $0x3FFFE000, s1;
	v4 =	vld [tilespmem:s10+$0x0]  }
0x181: {  	s1 =	sadd.s32 $0xC200, s1;
	v5 =	vld [tilespmem:s10+$0x10]  }
0x182: {  	s3 =	sor.u32 s3, s1;
	v6 =	vld [tilespmem:s10+$0x20]  }
0x183: {  	s7 =	sadd.s32 s5, s3;
	v7 =	vld [tilespmem:s10+$0x30]  }
0x184: {  	s0 =	sor.u32 s0, s1;
	s12 =	sor.u32 $0x10, s7;
	s1 =	sor.u32 $0x70, s7;
	v8 =	vld [tilespmem:s10+$0x40];
	v9 =	vshll.u32 v3, $0x10  }
0x185: {  	s16 =	sadd.s32 s5, s0;
	s21 =	sor.u32 $0x20, s7;
	s19 =	sor.u32 $0x30, s7;
	v3 =	vand.u32 $0xFFFF0000, v3;
	v10 =	vshll.u32 v4, $0x10;
	v4 =	vand.u32 $0xFFFF0000, v4;
	[tilespmem:s1+$0x0] =	vst.add.f32.msk $0xffff, v9  }
0x186: {  	s31 =	sor.u32 $0x1000, s16;
	s5 =	sor.u32 $0x10, s16;
	s1 =	sor.u32 $0x1010, s16;
	v9 =	vshll.u32 v5, $0x10;
	v5 =	vand.u32 $0xFFFF0000, v5;
	[tilespmem:s16+$0x1470] =	vst.add.f32.msk $0xffff, v3  }
0x187: {  	s6 =	sor.u32 $0x20, s16;
	s0 =	sor.u32 $0x1020, s16;
	s25 =	sor.u32 $0x30, s16;
	v3 =	vshll.u32 v6, $0x10;
	v11 =	vand.u32 $0xFFFF0000, v6;
	v6 =	vld [tilespmem:s10+$0x50]  }
0x188: {  	s13 =	sor.u32 $0x1030, s16;
	s3 =	sor.u32 $0x40, s16;
	s28 =	sor.u32 $0x1040, s16;
	v12 =	vshll.u32 v7, $0x10;
	v13 =	vand.u32 $0xFFFF0000, v7;
	v7 =	vld [tilespmem:s10+$0x60]  }
0x189: {  	s11 =	sor.u32 $0x50, s16;
	s26 =	sor.u32 $0x1050, s16;
	s9 =	sor.u32 $0x60, s16;
	v14 =	vshll.u32 v8, $0x10;
	v15 =	vand.u32 $0xFFFF0000, v8;
	v8 =	vld [tilespmem:s10+$0x70]  }
0x18a: {  	s30 =	sor.u32 $0x1060, s16;
	s14 =	sor.u32 $0x70, s16;
	s29 =	sor.u32 $0x1070, s16;
	v16 =	vld [tilespmem:s24+$0x0]  }
0x18b: {  	s23 =	sor.u32 $0x40, s7;
	s22 =	sor.u32 $0x50, s7;
	s20 =	sor.u32 $0x60, s7;
	v17 =	vld [tilespmem:s24+$0x10]  }
0x18c: {  	v18 =	vshll.u32 v6, $0x10;
	v19 =	vand.u32 $0xFFFF0000, v6;
	v6 =	vld [tilespmem:s24+$0x20]  }
0x18d: {  	v20 =	vshll.u32 v7, $0x10;
	v21 =	vand.u32 $0xFFFF0000, v7;
	v7 =	vld [tilespmem:s24+$0x30]  }
0x18e: {  	v22 =	vshll.u32 v8, $0x10;
	v23 =	vand.u32 $0xFFFF0000, v8;
	v24 =	vld [tilespmem:s24+$0x40]  }
0x18f: {  	v25 =	vshll.u32 v16, $0x10;
	v16 =	vand.u32 $0xFFFF0000, v16;
	v26 =	vld [tilespmem:s24+$0x50]  }
0x190: {  	v27 =	vshll.u32 v17, $0x10;
	v17 =	vand.u32 $0xFFFF0000, v17;
	v28 =	vld [tilespmem:s24+$0x60]  }
0x191: {  	[tilespmem:s16+$0x0] =	vst.add.f32.msk $0xffff, v10;
	v10 =	vshll.u32 v6, $0x10;
	v29 =	vand.u32 $0xFFFF0000, v6  }
0x192: {  	[tilespmem:s31+$0x0] =	vst.add.f32.msk $0xffff, v4;
	v30 =	vshll.u32 v7, $0x10;
	v31 =	vand.u32 $0xFFFF0000, v7  }
0x193: {  	[tilespmem:s5+$0x0] =	vst.add.f32.msk $0xffff, v9;
	v8 =	vshll.u32 v24, $0x10;
	v7 =	vand.u32 $0xFFFF0000, v24  }
0x194: {  	[tilespmem:s1+$0x0] =	vst.add.f32.msk $0xffff, v5;
	v5 =	vshll.u32 v26, $0x10;
	v6 =	vand.u32 $0xFFFF0000, v26  }
0x195: {  	[tilespmem:s6+$0x0] =	vst.add.f32.msk $0xffff, v3;
	v4 =	vshll.u32 v28, $0x10;
	v3 =	vand.u32 $0xFFFF0000, v28  }
0x196: {  	[tilespmem:s0+$0x0] =	vst.add.f32.msk $0xffff, v11  }
0x197: {  	[tilespmem:s25+$0x0] =	vst.add.f32.msk $0xffff, v12  }
0x198: {  	[tilespmem:s13+$0x0] =	vst.add.f32.msk $0xffff, v13  }
0x199: {  	[tilespmem:s3+$0x0] =	vst.add.f32.msk $0xffff, v14  }
0x19a: {  	[tilespmem:s28+$0x0] =	vst.add.f32.msk $0xffff, v15  }
0x19b: {  	[tilespmem:s11+$0x0] =	vst.add.f32.msk $0xffff, v18  }
0x19c: {  	[tilespmem:s26+$0x0] =	vst.add.f32.msk $0xffff, v19  }
0x19d: {  	[tilespmem:s9+$0x0] =	vst.add.f32.msk $0xffff, v20  }
0x19e: {  	[tilespmem:s30+$0x0] =	vst.add.f32.msk $0xffff, v21  }
0x19f: {  	[tilespmem:s14+$0x0] =	vst.add.f32.msk $0xffff, v22  }
0x1a0: {  	[tilespmem:s29+$0x0] =	vst.add.f32.msk $0xffff, v23  }
0x1a1: {  	[tilespmem:s7+$0x0] =	vst.add.f32.msk $0xffff, v25  }
0x1a2: {  	[tilespmem:s16+$0x1400] =	vst.add.f32.msk $0xffff, v16  }
0x1a3: {  	[tilespmem:s12+$0x0] =	vst.add.f32.msk $0xffff, v27  }
.Ltmp4:
0x1a4: {  	[tilespmem:s16+$0x1410] =	vst.add.f32.msk $0xffff, v17;
	(pc) =	sbr.rel @p0 .LBB2_7-.Ltmp4, $4  }
0x1a5: {  	[tilespmem:s21+$0x0] =	vst.add.f32.msk $0xffff, v10  }
0x1a6: {  	[tilespmem:s16+$0x1420] =	vst.add.f32.msk $0xffff, v29  }
0x1a7: {  	[tilespmem:s19+$0x0] =	vst.add.f32.msk $0xffff, v30  }
0x1a8: {  	[tilespmem:s16+$0x1430] =	vst.add.f32.msk $0xffff, v31  }
0x1a9: {  	[tilespmem:s23+$0x0] =	vst.add.f32.msk $0xffff, v8  }
0x1aa: {  	[tilespmem:s22+$0x0] =	vst.add.f32.msk $0xffff, v5  }
0x1ab: {  	[tilespmem:s20+$0x0] =	vst.add.f32.msk $0xffff, v4  }
0x1ac: {  	[tilespmem:s16+$0x1440] =	vst.add.f32.msk $0xffff, v7  }
0x1ad: {  	[tilespmem:s16+$0x1450] =	vst.add.f32.msk $0xffff, v6  }
0x1ae: {  	s0 =	rddreg [dreg:$0xf];
	[tilespmem:s16+$0x1460] =	vst.add.f32.msk $0xffff, v3  }
0x1af: {  	s0 =	sshll.u32 s0, $0xB;
	s1 =	rddreg [dreg:$0xc]  }
0x1b0: {  	s22 =	simm.s32 $0xC200;
	p0 =	seq.s32 s8, $0x7;
	s0 =	sadd.s32 s0, s1  }
0x1b1: {  	[hbm4b:s0+s4] =	stream.linear.scatter [tilespmem:s22], [sflag:$0x9], $0x4000, $0x38;
	[tilespmem:$0x14200] =	vst v63  }
0x1b2: {  	s0 =	sshll.u32 @!p0 s8, $0x6  }
0x1b3: {  	v3 =	vld @!p0 [tilespmem:s0+$0x40];
	_ =	sdelay $0x4  }
0x1b4: {  	v4 =	vshll.u32 @!p0 v3, $0x2  }
0x1b5: {  	v5 =	vlaneseq.u32 @!p0;
	v3 =	vand.u32 @!p0 $0x7, v3;
	v4 =	vand.u32 @!p0 $0xFFFFFFE0, v4  }
0x1b6: {  	v6 =	vshrl.u32 @!p0 v5, $0x3;
	v3 =	vor.u32 @!p0 v3, v4;
	v4 =	vand.u32 @!p0 $0x7, v5  }
0x1b7: {  	v6 =	vmul.u32 @!p0 $0x8, v6;
	v4 =	vperm.xlane @!p0 v3, v4;
	_ =	sdelay $0x1  }
0x1b8: {  	v4 =	vadd.s32 @!p0 v6, v4  }
0x1b9: {  	v5 =	vor.u32 @!p0 $0x8, v5  }
0x1ba: {  	v3 =	vperm.xlane @!p0 v3, v5;
	_ =	sdelay $0x1  }
0x1bb: {  	vm1 =	vmmov @!p0 $0xffff;
	s2 =	simm.s32 @!p0 $0x200;
	s3 =	rddreg [dreg:$0x4];
	s1 =	simm.s32 @!p0 $0x0;
	v3 =	vadd.s32 @!p0 v6, v3  }
0x1bc: {  	[tilespmem:s2], [sflag:$0x1] =	stream.indirect_vreg.gather @!p0 [hbm4b:s3+s1], $0x80, v4, vm1, $0xb8;
	[tilespmem:$0x14200] =	vst v63  }
0x1bd: {  	s5 =	rddreg [dreg:$0x9];
	s2 =	simm.s32 @!p0 $0xA00  }
0x1be: {  	[tilespmem:s2], [sflag:$0x1] =	stream.indirect_vreg.gather @!p0 [hbm4b:s5+s1], $0x80, v4, vm1, $0xb8;
	[tilespmem:$0x14200] =	vst v63  }
0x1bf: {  	s2 =	simm.s32 @!p0 $0x1200  }
0x1c0: {  	[tilespmem:s2], [sflag:$0x1] =	stream.indirect_vreg.gather @!p0 [hbm4b:s3+s1], $0x80, v3, vm1, $0xb8;
	[tilespmem:$0x14200] =	vst v63  }
0x1c1: {  	s2 =	simm.s32 @!p0 $0x1A00  }
0x1c2: {  	[tilespmem:s2], [sflag:$0x1] =	stream.indirect_vreg.gather @!p0 [hbm4b:s5+s1], $0x80, v3, vm1, $0xb8;
	[tilespmem:$0x14200] =	vst v63  }
0x1c3: {  	s2 =	simm.s32 @!p0 $0x7  }
0x1c4: {  	_ =	swait.ge @!p0 [sflag:s2], $0x4000  }
0x1c5: {  	s0 =	sadd.s32 @!p0 $0x40, s0;
	s3 =	rddreg [dreg:$0x5];
	[sflag:s2] =	ssyncset.done @!p0 $0x0  }
0x1c6: {  	s0 =	sadd.s32 @!p0 s3, s0;
	[sflag:s2] =	ssyncadd.s32 @!p0 $0xFFFFC000  }
0x1c7: {  	s23 =	simm.s32 $0x2;
	s0 =	sshll.u32 @!p0 s0, $0x7;
	s2 =	rddreg [dreg:$0x0]  }
0x1c8: {  	s24 =	simm.s32 $0x0;
	s0 =	sadd.s32 @!p0 s2, s0;
	s2 =	simm.s32 @!p0 $0x4200  }
0x1c9: {  	[tilespmem:s2], [sflag:$0x3] =	stream.linear.gather @!p0 [hbm4b:s0+s1], $0x4000, $0x38;
	[tilespmem:$0x14200] =	vst v63  }
0x1ca: {  	s25 =	simm.s32 $0x0;
	s9 =	simm.s32 $0x6;
	_ =	swait.ge [sflag:s23], $0x2000  }
0x1cb: {  	s0 =	sand.u32 $0x800, s24;
	s1 =	sand.u32 $0x3FFFF000, s25;
	[sflag:s23] =	ssyncset.done $0x0  }
0x1cc: {  	s2 =	simm.s32 $0x0;
	s26 =	sor.u32 $0x200, s1;
	[sflag:s23] =	ssyncadd.s32 $0xFFFFE000  }
0x1cd: {  	s28 =	sor.u32 $0x400, s0;
	s6 =	sand.u32 $0x380, s2;
	_ =	swait.ge [sflag:s9], $0x4000  }
0x1ce: {  	s1 =	sadd.s32 $0x2200, s1;
	s7 =	sor.u32 s28, s26;
	[sflag:s9] =	ssyncset.done $0x0  }
0x1cf: {  	s31 =	sor.u32 s0, s1;
	s29 =	sadd.s32 s6, s7;
	[sflag:s9] =	ssyncadd.s32 $0xFFFFC000  }
0x1d0: {  	s3 =	sor.u32 s0, s26;
	s12 =	sadd.s32 s6, s31;
	v3 =	vld [tilespmem:s29+$0x2070]  }
0x1d1: {  	s3 =	sadd.s32 s6, s3;
	v4 =	vld [tilespmem:s12+$0x0]  }
0x1d2: {  	v6 =	vld [tilespmem:s3+$0x2020]  }
0x1d3: {  	v7 =	vld [tilespmem:s3+$0x2030]  }
0x1d4: {  	v8 =	vld [tilespmem:s3+$0x2040]  }
0x1d5: {  	v9 =	vld [tilespmem:s3+$0x2060]  }
0x1d6: {  	v10 =	vld [tilespmem:s3+$0x2070]  }
0x1d7: {  	s30 =	simm.s32 $0x0;
	v12 =	vld [tilespmem:s29+$0x2010]  }
0x1d8: {  	s7 =	sand.u32 $0x3FFFE000, s30;
	v13 =	vld [tilespmem:s29+$0x2020]  }
0x1d9: {  	s10 =	sadd.s32 $0x10200, s7;
	v14 =	vld [tilespmem:s29+$0x2030]  }
0x1da: {  	s11 =	sor.u32 s28, s10;
	v15 =	vld [tilespmem:s29+$0x2040]  }
0x1db: {  	s7 =	sadd.s32 s6, s11;
	v16 =	vld [tilespmem:s29+$0x2050]  }
0x1dc: {  	s11 =	sor.u32 $0x70, s7;
	v18 =	vld [tilespmem:s29+$0x2060];
	v5 =	vshll.u32 v3, $0x10  }
0x1dd: {  	s0 =	sor.u32 s0, s10;
	[tilespmem:s11+$0x0] =	vst.add.f32.msk $0xffff, v5  }
0x1de: {  	v3 =	vand.u32 $0xFFFF0000, v3;
	v5 =	vld [tilespmem:s3+$0x2010];
	s11 =	sadd.s32 s6, s0  }
0x1df: {  	s10 =	sor.u32 s28, s1;
	[tilespmem:s11+$0x1470] =	vst.add.f32.msk $0xffff, v3  }
0x1e0: {  	s0 =	sadd.s32 s6, s10;
	v3 =	vld [tilespmem:s3+$0x2050]  }
0x1e1: {  	v17 =	vshll.u32 v4, $0x10;
	v11 =	vld [tilespmem:s0+$0x0]  }
0x1e2: {  	v4 =	vand.u32 $0xFFFF0000, v4;
	s12 =	sor.u32 $0x1000, s11;
	[tilespmem:s11+$0x0] =	vst.add.f32.msk $0xffff, v17  }
0x1e3: {  	s13 =	sor.u32 $0x10, s11;
	[tilespmem:s12+$0x0] =	vst.add.f32.msk $0xffff, v4;
	v63 =	vshll.u32 v5, $0x10  }
0x1e4: {  	s16 =	sor.u32 $0x20, s11;
	v4 =	vand.u32 $0xFFFF0000, v5;
	v5 =	vshll.u32 v6, $0x10;
	[tilespmem:s13+$0x0] =	vst.add.f32.msk $0xffff, v63  }
0x1e5: {  	s14 =	sor.u32 $0x1010, s11;
	[tilespmem:s16+$0x0] =	vst.add.f32.msk $0xffff, v5  }
0x1e6: {  	s18 =	sor.u32 $0x30, s11;
	v5 =	vshll.u32 v7, $0x10;
	[tilespmem:s14+$0x0] =	vst.add.f32.msk $0xffff, v4  }
0x1e7: {  	s17 =	sor.u32 $0x1020, s11;
	v4 =	vand.u32 $0xFFFF0000, v6;
	[tilespmem:s18+$0x0] =	vst.add.f32.msk $0xffff, v5  }
0x1e8: {  	s20 =	sor.u32 $0x40, s11;
	v5 =	vshll.u32 v8, $0x10;
	[tilespmem:s17+$0x0] =	vst.add.f32.msk $0xffff, v4  }
0x1e9: {  	s19 =	sor.u32 $0x1030, s11;
	v4 =	vand.u32 $0xFFFF0000, v7;
	[tilespmem:s20+$0x0] =	vst.add.f32.msk $0xffff, v5  }
0x1ea: {  	s22 =	sor.u32 $0x50, s11;
	v5 =	vshll.u32 v3, $0x10;
	[tilespmem:s19+$0x0] =	vst.add.f32.msk $0xffff, v4  }
0x1eb: {  	s21 =	sor.u32 $0x1040, s11;
	v4 =	vand.u32 $0xFFFF0000, v8;
	[tilespmem:s22+$0x0] =	vst.add.f32.msk $0xffff, v5  }
0x1ec: {  	s23 =	sor.u32 $0x1050, s11;
	v3 =	vand.u32 $0xFFFF0000, v3;
	[tilespmem:s21+$0x0] =	vst.add.f32.msk $0xffff, v4  }
0x1ed: {  	s24 =	sor.u32 $0x60, s11;
	v4 =	vshll.u32 v9, $0x10;
	[tilespmem:s23+$0x0] =	vst.add.f32.msk $0xffff, v3  }
0x1ee: {  	s25 =	sor.u32 $0x1060, s11;
	v3 =	vand.u32 $0xFFFF0000, v9;
	[tilespmem:s24+$0x0] =	vst.add.f32.msk $0xffff, v4  }
0x1ef: {  	s26 =	sor.u32 $0x70, s11;
	v4 =	vshll.u32 v10, $0x10;
	[tilespmem:s25+$0x0] =	vst.add.f32.msk $0xffff, v3  }
0x1f0: {  	s28 =	sor.u32 $0x1070, s11;
	v3 =	vand.u32 $0xFFFF0000, v10;
	[tilespmem:s26+$0x0] =	vst.add.f32.msk $0xffff, v4  }
0x1f1: {  	v4 =	vshll.u32 v11, $0x10;
	[tilespmem:s28+$0x0] =	vst.add.f32.msk $0xffff, v3  }
0x1f2: {  	v3 =	vand.u32 $0xFFFF0000, v11;
	[tilespmem:s7+$0x0] =	vst.add.f32.msk $0xffff, v4  }
0x1f3: {  	s29 =	sor.u32 $0x10, s7;
	v4 =	vshll.u32 v12, $0x10;
	[tilespmem:s11+$0x1400] =	vst.add.f32.msk $0xffff, v3  }
0x1f4: {  	v3 =	vand.u32 $0xFFFF0000, v12;
	[tilespmem:s29+$0x0] =	vst.add.f32.msk $0xffff, v4  }
0x1f5: {  	s30 =	sor.u32 $0x20, s7;
	v4 =	vshll.u32 v13, $0x10;
	[tilespmem:s11+$0x1410] =	vst.add.f32.msk $0xffff, v3  }
0x1f6: {  	v3 =	vand.u32 $0xFFFF0000, v13;
	[tilespmem:s30+$0x0] =	vst.add.f32.msk $0xffff, v4  }
0x1f7: {  	s31 =	sor.u32 $0x30, s7;
	v6 =	vand.u32 $0xFFFF0000, v16;
	v4 =	vshll.u32 v14, $0x10;
	[tilespmem:s11+$0x1420] =	vst.add.f32.msk $0xffff, v3  }
0x1f8: {  	s16 =	simm.s32 $0x0;
	v7 =	vand.u32 $0xFFFF0000, v15;
	s17 =	simm.s32 $0x0;
	v8 =	vshll.u32 v15, $0x10;
	v9 =	vand.u32 $0xFFFF0000, v14;
	[tilespmem:s31+$0x0] =	vst.add.f32.msk $0xffff, v4  }
0x1f9: {  	s22 =	sor.u32 $0x40, s7;
	v5 =	vshll.u32 v16, $0x10;
	s19 =	sor.u32 $0x60, s7;
	s21 =	sor.u32 $0x50, s7;
	v4 =	vshll.u32 v18, $0x10;
	v3 =	vand.u32 $0xFFFF0000, v18;
	[tilespmem:s11+$0x1430] =	vst.add.f32.msk $0xffff, v9  }
.LBB2_9:
0x1fa: {  	s16 =	sadd.s32 $0x10, s16;
	[tilespmem:s22+$0x0] =	vst.add.f32.msk $0xffff, v8;
	s2 =	sadd.s32 $0x100, s2  }
0x1fb: {  	s0 =	sshll.u32 s2, $0x3;
	s1 =	sshll.u32 s16, $0x4;
	p1 =	slt.u32 s16, $0x1F0;
	[tilespmem:s11+$0x1440] =	vst.add.f32.msk $0xffff, v7  }
0x1fc: {  	s0 =	sand.u32 $0x800, s0;
	s1 =	sand.u32 $0x3FFFF000, s1;
	[tilespmem:s21+$0x0] =	vst.add.f32.msk $0xffff, v5  }
0x1fd: {  	s17 =	sadd.s32 $0x40, s17;
	s3 =	sor.u32 $0x200, s1;
	s5 =	sor.u32 $0x400, s0;
	[tilespmem:s11+$0x1450] =	vst.add.f32.msk $0xffff, v6  }
0x1fe: {  	s6 =	sand.u32 $0x380, s17;
	s1 =	sadd.s32 $0x2200, s1;
	s7 =	sor.u32 s5, s3;
	[tilespmem:s19+$0x0] =	vst.add.f32.msk $0xffff, v4  }
0x1ff: {  	s9 =	sor.u32 s0, s1;
	s3 =	sor.u32 s0, s3;
	s23 =	sadd.s32 s6, s7;
	[tilespmem:s11+$0x1460] =	vst.add.f32.msk $0xffff, v3  }
0x200: {  	s1 =	sor.u32 s5, s1;
	s7 =	sadd.s32 s6, s9;
	s9 =	sshll.u32 s16, $0x5;
	v3 =	vld [tilespmem:s23+$0x2070]  }
0x201: {  	s10 =	sadd.s32 s6, s3;
	s19 =	sadd.s32 s6, s1;
	v4 =	vld [tilespmem:s7+$0x0];
	s7 =	sand.u32 $0x3FFFE000, s9  }
0x202: {  	s1 =	sadd.s32 $0x10200, s7;
	v5 =	vld [tilespmem:s10+$0x2010]  }
0x203: {  	v6 =	vld [tilespmem:s10+$0x2020];
	s3 =	sor.u32 s5, s1  }
0x204: {  	v7 =	vld [tilespmem:s10+$0x2030];
	s7 =	sadd.s32 s6, s3  }
0x205: {  	s0 =	sor.u32 s0, s1;
	v8 =	vld [tilespmem:s10+$0x2040];
	s12 =	sor.u32 $0x10, s7;
	v9 =	vshll.u32 v3, $0x10;
	s1 =	sor.u32 $0x70, s7  }
0x206: {  	s11 =	sadd.s32 s6, s0;
	s20 =	sor.u32 $0x20, s7;
	s18 =	sor.u32 $0x30, s7;
	v3 =	vand.u32 $0xFFFF0000, v3;
	v10 =	vshll.u32 v4, $0x10;
	v4 =	vand.u32 $0xFFFF0000, v4;
	[tilespmem:s1+$0x0] =	vst.add.f32.msk $0xffff, v9  }
0x207: {  	s31 =	sor.u32 $0x1000, s11;
	s5 =	sor.u32 $0x10, s11;
	s1 =	sor.u32 $0x1010, s11;
	v9 =	vshll.u32 v5, $0x10;
	v5 =	vand.u32 $0xFFFF0000, v5;
	[tilespmem:s11+$0x1470] =	vst.add.f32.msk $0xffff, v3  }
0x208: {  	s6 =	sor.u32 $0x20, s11;
	s0 =	sor.u32 $0x1020, s11;
	s24 =	sor.u32 $0x30, s11;
	v3 =	vshll.u32 v6, $0x10;
	v11 =	vand.u32 $0xFFFF0000, v6;
	v6 =	vld [tilespmem:s10+$0x2050]  }
0x209: {  	s13 =	sor.u32 $0x1030, s11;
	s3 =	sor.u32 $0x40, s11;
	s25 =	sor.u32 $0x1040, s11;
	v12 =	vshll.u32 v7, $0x10;
	v13 =	vand.u32 $0xFFFF0000, v7;
	v7 =	vld [tilespmem:s10+$0x2060]  }
0x20a: {  	s30 =	sor.u32 $0x50, s11;
	s26 =	sor.u32 $0x1050, s11;
	s9 =	sor.u32 $0x60, s11;
	v14 =	vshll.u32 v8, $0x10;
	v15 =	vand.u32 $0xFFFF0000, v8;
	v8 =	vld [tilespmem:s10+$0x2070]  }
0x20b: {  	s29 =	sor.u32 $0x1060, s11;
	s14 =	sor.u32 $0x70, s11;
	s28 =	sor.u32 $0x1070, s11;
	v16 =	vld [tilespmem:s19+$0x0]  }
0x20c: {  	s22 =	sor.u32 $0x40, s7;
	s21 =	sor.u32 $0x50, s7;
	s19 =	sor.u32 $0x60, s7;
	v17 =	vld [tilespmem:s23+$0x2010]  }
0x20d: {  	v18 =	vshll.u32 v6, $0x10;
	v19 =	vand.u32 $0xFFFF0000, v6;
	v6 =	vld [tilespmem:s23+$0x2020]  }
0x20e: {  	v20 =	vshll.u32 v7, $0x10;
	v21 =	vand.u32 $0xFFFF0000, v7;
	v7 =	vld [tilespmem:s23+$0x2030]  }
0x20f: {  	v22 =	vshll.u32 v8, $0x10;
	v23 =	vand.u32 $0xFFFF0000, v8;
	v24 =	vld [tilespmem:s23+$0x2040]  }
0x210: {  	v25 =	vshll.u32 v16, $0x10;
	v16 =	vand.u32 $0xFFFF0000, v16;
	v26 =	vld [tilespmem:s23+$0x2050]  }
0x211: {  	v27 =	vshll.u32 v17, $0x10;
	v17 =	vand.u32 $0xFFFF0000, v17;
	v28 =	vld [tilespmem:s23+$0x2060]  }
0x212: {  	[tilespmem:s11+$0x0] =	vst.add.f32.msk $0xffff, v10;
	v10 =	vshll.u32 v6, $0x10;
	v29 =	vand.u32 $0xFFFF0000, v6  }
0x213: {  	[tilespmem:s31+$0x0] =	vst.add.f32.msk $0xffff, v4;
	v30 =	vshll.u32 v7, $0x10;
	v31 =	vand.u32 $0xFFFF0000, v7  }
0x214: {  	[tilespmem:s5+$0x0] =	vst.add.f32.msk $0xffff, v9;
	v8 =	vshll.u32 v24, $0x10;
	v7 =	vand.u32 $0xFFFF0000, v24  }
0x215: {  	[tilespmem:s1+$0x0] =	vst.add.f32.msk $0xffff, v5;
	v5 =	vshll.u32 v26, $0x10;
	v6 =	vand.u32 $0xFFFF0000, v26  }
0x216: {  	[tilespmem:s6+$0x0] =	vst.add.f32.msk $0xffff, v3;
	v4 =	vshll.u32 v28, $0x10;
	v3 =	vand.u32 $0xFFFF0000, v28  }
0x217: {  	[tilespmem:s0+$0x0] =	vst.add.f32.msk $0xffff, v11  }
0x218: {  	[tilespmem:s24+$0x0] =	vst.add.f32.msk $0xffff, v12  }
0x219: {  	[tilespmem:s13+$0x0] =	vst.add.f32.msk $0xffff, v13  }
0x21a: {  	[tilespmem:s3+$0x0] =	vst.add.f32.msk $0xffff, v14  }
0x21b: {  	[tilespmem:s25+$0x0] =	vst.add.f32.msk $0xffff, v15  }
0x21c: {  	[tilespmem:s30+$0x0] =	vst.add.f32.msk $0xffff, v18  }
0x21d: {  	[tilespmem:s26+$0x0] =	vst.add.f32.msk $0xffff, v19  }
0x21e: {  	[tilespmem:s9+$0x0] =	vst.add.f32.msk $0xffff, v20  }
0x21f: {  	[tilespmem:s29+$0x0] =	vst.add.f32.msk $0xffff, v21  }
0x220: {  	[tilespmem:s14+$0x0] =	vst.add.f32.msk $0xffff, v22  }
0x221: {  	[tilespmem:s28+$0x0] =	vst.add.f32.msk $0xffff, v23  }
0x222: {  	[tilespmem:s7+$0x0] =	vst.add.f32.msk $0xffff, v25  }
0x223: {  	[tilespmem:s11+$0x1400] =	vst.add.f32.msk $0xffff, v16  }
0x224: {  	[tilespmem:s12+$0x0] =	vst.add.f32.msk $0xffff, v27  }
.Ltmp5:
0x225: {  	[tilespmem:s11+$0x1410] =	vst.add.f32.msk $0xffff, v17;
	(pc) =	sbr.rel @p1 .LBB2_9-.Ltmp5, $4  }
0x226: {  	[tilespmem:s20+$0x0] =	vst.add.f32.msk $0xffff, v10  }
0x227: {  	[tilespmem:s11+$0x1420] =	vst.add.f32.msk $0xffff, v29  }
0x228: {  	[tilespmem:s18+$0x0] =	vst.add.f32.msk $0xffff, v30  }
0x229: {  	[tilespmem:s11+$0x1430] =	vst.add.f32.msk $0xffff, v31  }
0x22a: {  	[tilespmem:s22+$0x0] =	vst.add.f32.msk $0xffff, v8  }
0x22b: {  	[tilespmem:s21+$0x0] =	vst.add.f32.msk $0xffff, v5  }
0x22c: {  	[tilespmem:s19+$0x0] =	vst.add.f32.msk $0xffff, v4  }
0x22d: {  	[tilespmem:s11+$0x1440] =	vst.add.f32.msk $0xffff, v7  }
.Ltmp6:
0x22e: {  	[tilespmem:s11+$0x1450] =	vst.add.f32.msk $0xffff, v6;
	(pc) =	sbr.rel @p0 .LBB2_12-.Ltmp6, $4  }
0x22f: {  	[tilespmem:s11+$0x1460] =	vst.add.f32.msk $0xffff, v3  }
0x230: {  	s0 =	sshll.u32 s15, $0xB;
	s1 =	rddreg [dreg:$0xc]  }
0x231: {  	s31 =	simm.s32 $0x10200;
	s0 =	sadd.s32 s0, s1  }
0x232: {  	[hbm4b:s0+s4] =	stream.linear.scatter [tilespmem:s31], [sflag:$0xA], $0x4000, $0x38;
	[tilespmem:$0x14200] =	vst v63  }
0x233: {  	s0 =	sshll.u32 s8, $0x6  }
0x234: {  	v3 =	vld [tilespmem:s0+$0x50];
	_ =	sdelay $0x4  }
0x235: {  	v4 =	vshll.u32 v3, $0x2  }
0x236: {  	v3 =	vand.u32 $0x7, v3;
	v4 =	vand.u32 $0xFFFFFFE0, v4  }
0x237: {  	v3 =	vor.u32 v3, v4  }
0x238: {  	v4 =	vperm.xlane v3, v0;
	_ =	sdelay $0x1  }
0x239: {  	v4 =	vadd.s32 v1, v4;
	_ =	sdelay $0x1  }
0x23a: {  	v3 =	vperm.xlane v3, v2;
	_ =	sdelay $0x1  }
0x23b: {  	s1 =	rddreg [dreg:$0x4];
	s2 =	simm.s32 $0x2200;
	v3 =	vadd.s32 v1, v3  }
0x23c: {  	[tilespmem:s2], [sflag:$0x2] =	stream.indirect_vreg.gather [hbm4b:s1+s4], $0x80, v4, vm0, $0xb8;
	[tilespmem:$0x14200] =	vst v63  }
0x23d: {  	s24 =	rddreg [dreg:$0x9];
	s3 =	simm.s32 $0x2A00  }
0x23e: {  	[tilespmem:s3], [sflag:$0x2] =	stream.indirect_vreg.gather [hbm4b:s24+s4], $0x80, v4, vm0, $0xb8;
	[tilespmem:$0x14200] =	vst v63  }
0x23f: {  	s25 =	simm.s32 $0x3200  }
0x240: {  	[tilespmem:s25], [sflag:$0x2] =	stream.indirect_vreg.gather [hbm4b:s1+s4], $0x80, v3, vm0, $0xb8;
	[tilespmem:$0x14200] =	vst v63  }
0x241: {  	s26 =	simm.s32 $0x3A00;
	s28 =	simm.s32 $0x8  }
0x242: {  	[tilespmem:s26], [sflag:$0x2] =	stream.indirect_vreg.gather [hbm4b:s24+s4], $0x80, v3, vm0, $0xb8;
	[tilespmem:$0x14200] =	vst v63  }
0x243: {  	s0 =	sadd.s32 $0x50, s0;
	_ =	swait.ge [sflag:s28], $0x4000  }
.Ltmp7:
0x244: {  	s29 =	rddreg [dreg:$0x5];
	[sflag:s28] =	ssyncset.done $0x0;
	(pc) =	sbr.rel .LBB2_2-.Ltmp7, $4  }
0x245: {  	s0 =	sadd.s32 s29, s0;
	[sflag:s28] =	ssyncadd.s32 $0xFFFFC000  }
0x246: {  	s0 =	sshll.u32 s0, $0x7;
	s30 =	rddreg [dreg:$0x0]  }
0x247: {  	s31 =	simm.s32 $0x8200;
	s8 =	sadd.s32 $0x1, s8;
	s0 =	sadd.s32 s30, s0  }
0x248: {  	[tilespmem:s31], [sflag:$0x4] =	stream.linear.gather [hbm4b:s0+s4], $0x4000, $0x38;
	[tilespmem:$0x14200] =	vst v63  }
.LBB2_13:
0x249: {  	_ =	sfence.sel $0x180000  }
0x24a: {  	[bflag:$0x0] =	sbarrier.arrive $0xFFFF  }
0x24b: {  	_ =	strace $0x90000047  }
0x24c: {  	s0 =	stileid.u32;
	[bflag:$0x2] =	sbarrier.arrive $0xFFFF  }
0x24d: {  	p0 =	sne.s32 s0, $0x0;
	s0 =	rddreg [dreg:$0x3]  }
0x24e: {  	s0 =	sadd.s32 @!p0 $0x100000, s0  }
0x24f: {  	[sflag:s0] =	ssyncadd.tile.s32 @!p0 $0x1;
	_ =	shalt  }
.Lfunc_end2:
_tile_overlayer_lowered:
.L_overlay_start_2:
0x250: {  	(tag) =	ssettag $0x2  }
0x251: {  	s0 =	rddreg [dreg:$0x0];
	s2 =	stileid.u32  }
0x252: {  	s1 =	rddreg [dreg:$0x1];
	p0 =	sne.s32 s2, $0x0  }
0x253: {  	s3 =	rddreg [dreg:$0x2];
	[bflag:$0x3] =	sbarrier.arrive $0xFFFF;
	s2 =	simm.s32 @!p0 $0x1C0B  }
0x254: {  	[timem:s3], [sflag:s2] =	dma.local @!p0 [hbm:s0], s1  }
0x255: {  	s0 =	simm.s32 @!p0 $0xB  }
0x256: {  	_ =	swait.ge @!p0 [sflag:s0], s1  }
0x257: {  	s1 =	ssub.s32 @!p0 $0x0, s1;
	[sflag:s0] =	ssyncset.done @!p0 $0x0  }
0x258: {  	[sflag:s0] =	ssyncadd.s32 @!p0 s1  }
0x259: {  	[bflag:$0x3] =	sbarrier.arrive $0xFFFF  }
0x25a: {  	_ =	shalt  }

</sc_bundles>
